<compile_context>
chip_gen: v7x
topology: tpu7x:2x2x1
jax: 0.10.2.dev20260603
libtpu: 0.0.44.dev20260713+nightly
codegen_flags: <defaults>
</compile_context>

<pallas_src>
import functools

import jax
import jax.numpy as jnp
from jax import lax
from jax.experimental import pallas as pl
from jax.experimental.pallas import tpu as pltpu
from jax.experimental.pallas import tpu_sc as plsc

N = 10000
F = 128
E = 320000
NP = 10240
RP = 2560
EP = RP * 128
NW = 32
RT = RP // NW
RPT = NP // 16

_mesh = plsc.VectorSubcoreMesh(core_axis_name="c", subcore_axis_name="s")


@functools.partial(
    pl.kernel,
    out_type=jax.ShapeDtypeStruct((2, NP), jnp.float32),
    mesh=_mesh,
    scratch_types=[
        pltpu.VMEM((RT, 128), jnp.int32),
        pltpu.VMEM((128,), jnp.float32),
        pltpu.VMEM((RPT,), jnp.float32),
        pltpu.VMEM_SHARED((NP,), jnp.float32),
    ],
)
def _deg_kernel(dstm, out, idx_v, ones_v, zer_v, deg_sm):
    c = lax.axis_index("c")
    s = lax.axis_index("s")
    w = s * 2 + c

    def fill_ones(i, carry):
        ones_v[pl.ds(i * 16, 16)] = jnp.ones((16,), jnp.float32)
        return carry

    lax.fori_loop(0, 128 // 16, fill_ones, 0)

    def fill_zeros(i, carry):
        zer_v[pl.ds(i * 16, 16)] = jnp.zeros((16,), jnp.float32)
        return carry

    lax.fori_loop(0, RPT // 16, fill_zeros, 0)
    pltpu.sync_copy(zer_v, deg_sm.at[pl.ds(s * RPT, RPT)])
    pltpu.sync_copy(dstm.at[pl.ds(w * RT, RT)], idx_v)
    plsc.subcore_barrier()

    def body(j, carry):
        pltpu.sync_copy(ones_v, deg_sm.at[idx_v.at[j]], add=True)
        return carry

    lax.fori_loop(0, RT, body, 0)
    plsc.subcore_barrier()
    pltpu.sync_copy(deg_sm.at[pl.ds(s * RPT, RPT)],
                    out.at[c, pl.ds(s * RPT, RPT)])


@functools.partial(
    pl.kernel,
    out_type=jax.ShapeDtypeStruct((2, NP, F), jnp.float32),
    mesh=_mesh,
    scratch_types=[
        pltpu.VMEM((RT // 2, 128), jnp.int32),
        pltpu.VMEM((RT // 2, 128), jnp.int32),
        pltpu.VMEM((128, F), jnp.float32),
        pltpu.VMEM((128, F), jnp.float32),
        pltpu.VMEM_SHARED((NP, F), jnp.float32),
        pltpu.SemaphoreType.DMA,
        pltpu.SemaphoreType.DMA,
        pltpu.SemaphoreType.DMA,
        pltpu.SemaphoreType.DMA,
    ],
)
def _scatter_kernel(hs, srcm, dstm, out, src_v, dst_v, rows_a, rows_b,
                    acc_sm, sem_ga, sem_gb, sem_sa, sem_sb):
    c = lax.axis_index("c")
    s = lax.axis_index("s")
    w = s * 2 + c
    rtp = RT // 2

    def zero_rows(i, carry):
        rows_a[i // 8, pl.ds((i % 8) * 16, 16)] = jnp.zeros((16,), jnp.float32)
        return carry

    lax.fori_loop(0, 128 * (F // 16), zero_rows, 0)

    def zero_acc(k, carry):
        pltpu.sync_copy(rows_a, acc_sm.at[pl.ds(s * RPT + k * 128, 128)])
        return carry

    lax.fori_loop(0, RPT // 128, zero_acc, 0)
    plsc.subcore_barrier()

    for ph in range(2):
        pltpu.sync_copy(srcm.at[pl.ds(w * RT + ph * rtp, rtp)], src_v)
        pltpu.sync_copy(dstm.at[pl.ds(w * RT + ph * rtp, rtp)], dst_v)
        pltpu.async_copy(hs.at[src_v.at[0]], rows_a, sem_ga)
        pltpu.async_copy(hs.at[src_v.at[1]], rows_b, sem_gb)
        npair = rtp // 2

        def body(i, carry):
            ja = 2 * i
            pltpu.make_async_copy(hs.at[src_v.at[ja]], rows_a, sem_ga).wait()
            pltpu.async_copy(rows_a, acc_sm.at[dst_v.at[ja]], sem_sa, add=True)
            pltpu.make_async_copy(
                hs.at[src_v.at[ja + 1]], rows_b, sem_gb).wait()
            pltpu.async_copy(
                rows_b, acc_sm.at[dst_v.at[ja + 1]], sem_sb, add=True)

            @pl.when(i < npair - 1)
            def _():
                pltpu.make_async_copy(
                    rows_a, acc_sm.at[dst_v.at[ja]], sem_sa).wait()
                pltpu.async_copy(hs.at[src_v.at[ja + 2]], rows_a, sem_ga)
                pltpu.make_async_copy(
                    rows_b, acc_sm.at[dst_v.at[ja + 1]], sem_sb).wait()
                pltpu.async_copy(hs.at[src_v.at[ja + 3]], rows_b, sem_gb)

            return carry

        lax.fori_loop(0, npair, body, 0)
        pltpu.make_async_copy(
            rows_a, acc_sm.at[dst_v.at[rtp - 2]], sem_sa).wait()
        pltpu.make_async_copy(
            rows_b, acc_sm.at[dst_v.at[rtp - 1]], sem_sb).wait()
    plsc.subcore_barrier()

    def write_out(k, carry):
        pltpu.sync_copy(acc_sm.at[pl.ds(s * RPT + k * 128, 128)],
                        out.at[c, pl.ds(s * RPT + k * 128, 128)])
        return carry

    lax.fori_loop(0, RPT // 128, write_out, 0)


def _dinv_col(deg_ref):
    deg = deg_ref[0] + deg_ref[1] + 1.0
    return lax.rsqrt(deg)


def _tc_a1_body(x_ref, w1_ref, h_ref):
    h_ref[...] = jnp.dot(x_ref[...], w1_ref[...],
                         preferred_element_type=jnp.float32)


def _tc_a2_body(h_ref, deg_ref, hs_ref, dinv_ref):
    dinv = _dinv_col(deg_ref)
    dinv_ref[...] = dinv
    hs_ref[...] = h_ref[...] * dinv


def _tc_b_body(acc_ref, hs_ref, dinv_ref, w2_ref, b1_ref, hs2_ref):
    dinv = dinv_ref[...]
    z = jax.nn.relu(dinv * (acc_ref[0] + acc_ref[1] + hs_ref[...]) + b1_ref[...])
    h2 = jnp.dot(z, w2_ref[...], preferred_element_type=jnp.float32)
    hs2_ref[...] = h2 * dinv


def _tc_c_body(acc_ref, hs2_ref, dinv_ref, b2_ref, out_ref):
    out_ref[...] = jax.nn.relu(
        dinv_ref[...] * (acc_ref[0] + acc_ref[1] + hs2_ref[...]) + b2_ref[...])


_tc_a1 = pl.pallas_call(
    _tc_a1_body, out_shape=jax.ShapeDtypeStruct((NP, F), jnp.float32))
_tc_a2 = pl.pallas_call(
    _tc_a2_body, out_shape=(jax.ShapeDtypeStruct((NP, F), jnp.float32),
                            jax.ShapeDtypeStruct((NP, 1), jnp.float32)))
_tc_b = pl.pallas_call(
    _tc_b_body, out_shape=jax.ShapeDtypeStruct((NP, F), jnp.float32))
_tc_c = pl.pallas_call(
    _tc_c_body, out_shape=jax.ShapeDtypeStruct((NP, F), jnp.float32))


@jax.jit
def _impl(x, edge_index, W1, b1, W2, b2):
    src = edge_index[0]
    dst = edge_index[1]
    pad = EP - E
    ar = jnp.arange(pad, dtype=jnp.int32)
    srcm = jnp.concatenate([src, ar % N]).reshape(RP, 128)
    dstm = jnp.concatenate([dst, N + ar % (NP - N)]).reshape(RP, 128)
    xp = jnp.zeros((NP, F), jnp.float32).at[:N].set(x)

    deg = _deg_kernel(dstm).reshape(2, NP, 1)
    h1 = _tc_a1(xp, W1)
    hs1, dinv = _tc_a2(h1, deg)
    acc1 = _scatter_kernel(hs1, srcm, dstm)
    hs2 = _tc_b(acc1, hs1, dinv, W2, b1)
    acc2 = _scatter_kernel(hs2, srcm, dstm)
    out = _tc_c(acc2, hs2, dinv, b2)
    return out[:N]


def kernel(x, edge_index, W1, b1, W2, b2):
    return _impl(x, edge_index, W1, b1, W2, b2)

# --- scband reference (transcript-rebuilt; emitter-appended) ---
"""Pipeline reference for scband-encoder-31181462569203 (READ-ONLY COPY).

The authoritative reference and input builder live on the scoring server;
editing this copy changes nothing except your own understanding.
"""

import jax, jax.numpy as jnp
import numpy as np

N = 10000
E = 320000
F_IN = 128
F_HID = 128


def _glorot(key, fan_in, fan_out):
    limit = np.sqrt(6.0 / (fan_in + fan_out))
    return jax.random.uniform(key, (fan_in, fan_out), jnp.float32, -limit, limit)


def setup_inputs(seed: int = 0) -> dict:
    key = jax.random.key(seed)
    k1, k2, k3, k4 = jax.random.split(key, 4)
    x = jax.random.normal(k1, (N, F_IN), dtype=jnp.float32)
    edge_index = jax.random.randint(k2, (2, E), 0, N, dtype=jnp.int32)
    W1 = _glorot(k3, F_IN, F_HID)
    b1 = jnp.zeros((F_HID,), jnp.float32)
    W2 = _glorot(k4, F_HID, F_HID)
    b2 = jnp.zeros((F_HID,), jnp.float32)
    return {"x": x, "edge_index": edge_index, "W1": W1, "b1": b1, "W2": W2, "b2": b2}


def _gcn_conv(x, src, dst, W, b, n):
    # Standard GCNConv: x' = D^{-1/2} (A + I) D^{-1/2} (x W) + b
    h = x @ W
    loop = jnp.arange(n, dtype=src.dtype)
    s = jnp.concatenate([src, loop])
    d = jnp.concatenate([dst, loop])
    deg = jnp.zeros((n,), jnp.float32).at[d].add(1.0)
    dinv = jnp.where(deg > 0, 1.0 / jnp.sqrt(deg), 0.0)
    norm = dinv[s] * dinv[d]
    msg = h[s] * norm[:, None]
    out = jax.ops.segment_sum(msg, d, num_segments=n) + b
    return out


def reference(x, edge_index, W1, b1, W2, b2):
    src = edge_index[0]
    dst = edge_index[1]
    h = jax.nn.relu(_gcn_conv(x, src, dst, W1, b1, N))
    # dropout is identity in eval mode
    h = jax.nn.relu(_gcn_conv(h, src, dst, W2, b2, N))
    return h

if __name__ == "__main__":
    import jax
    _d = setup_inputs()
    print(jax.jit(kernel)(*tuple(_d.values())))

</pallas_src>

<mosaic_0001>
#map = affine_map<(d0, d1) -> (0, 0)>
#map1 = affine_map<(d0, d1) -> (0, 0, 0)>
module attributes {stable_mosaic.version = 14 : i64} {
  func.func @_scatter_kernel(%arg0: i32, %arg1: i32, %arg2: memref<10240x128xf32, #tpu.memory_space<hbm>>, %arg3: memref<2560x128xi32, #tpu.memory_space<hbm>>, %arg4: memref<2560x128xi32, #tpu.memory_space<hbm>>, %arg5: memref<2x10240x128xf32, #tpu.memory_space<hbm>>, %arg6: memref<40x128xi32, #tpu.memory_space<vmem>>, %arg7: memref<40x128xi32, #tpu.memory_space<vmem>>, %arg8: memref<128x128xf32, #tpu.memory_space<vmem>>, %arg9: memref<128x128xf32, #tpu.memory_space<vmem>>, %arg10: memref<10240x128xf32, #tpu.memory_space<vmem_shared>>, %arg11: memref<!tpu.dma_semaphore, #tpu.memory_space<semaphore_mem>>, %arg12: memref<!tpu.dma_semaphore, #tpu.memory_space<semaphore_mem>>, %arg13: memref<!tpu.dma_semaphore, #tpu.memory_space<semaphore_mem>>, %arg14: memref<!tpu.dma_semaphore, #tpu.memory_space<semaphore_mem>>) attributes {dimension_semantics = [#tpu.dimension_semantics<core_parallel>, #tpu.dimension_semantics<subcore_parallel>], iteration_bounds = array<i64: 2, 16>, scalar_prefetch = 0 : i64, scratch_operands = 9 : i64, tpu.core_type = #tpu.core_type<sc_vector_subcore>, window_params = [{transform_indices = #map}, {transform_indices = #map}, {transform_indices = #map}, {transform_indices = #map1}]} {
    %mul3A = arith.constant 2 : i32
    %mul3A_0 = arith.muli %arg1, %mul3A : i32
    %add3A = arith.addi %mul3A_0, %arg0 : i32
    %scan3A = arith.constant 0 : i32
    %scan3A_1 = arith.constant 0 : i32
    %scan3A_2 = arith.constant 1024 : i32
    %scan3A_3 = arith.addi %scan3A_1, %scan3A_2 : i32
    %scan3A_4 = arith.constant 1 : i32
    scf.for %scan3A_101 = %scan3A_1 to %scan3A_3 step %scan3A_4  : i32 {
      %broadcast_in_dim3A = arith.constant 0.000000e+00 : f32
      %broadcast_in_dim3A_102 = vector.broadcast %broadcast_in_dim3A : f32 to vector<16xf32>
      %jit3A = arith.constant 8 : i32
      %div3A = arith.divsi %scan3A_101, %jit3A : i32
      %sign3A = arith.constant 0 : i32
      %sign3A_103 = arith.cmpi sgt, %scan3A_101, %sign3A : i32
      %sign3A_104 = arith.extui %sign3A_103 : i1 to i32
      %sign3A_105 = arith.constant 0 : i32
      %sign3A_106 = arith.cmpi slt, %scan3A_101, %sign3A_105 : i32
      %sign3A_107 = arith.extui %sign3A_106 : i1 to i32
      %sign3A_108 = arith.subi %sign3A_104, %sign3A_107 : i32
      %sign3A_109 = arith.constant 0 : i32
      %sign3A_110 = arith.cmpi sgt, %jit3A, %sign3A_109 : i32
      %sign3A_111 = arith.extui %sign3A_110 : i1 to i32
      %sign3A_112 = arith.constant 0 : i32
      %sign3A_113 = arith.cmpi slt, %jit3A, %sign3A_112 : i32
      %sign3A_114 = arith.extui %sign3A_113 : i1 to i32
      %sign3A_115 = arith.subi %sign3A_111, %sign3A_114 : i32
      %ne3A = arith.cmpi ne, %sign3A_108, %sign3A_115 : i32
      %rem3A = arith.remsi %scan3A_101, %jit3A : i32
      %ne3A_116 = arith.constant 0 : i32
      %ne3A_117 = arith.cmpi ne, %rem3A, %ne3A_116 : i32
      %and3A = arith.andi %ne3A, %ne3A_117 : i1
      %sub3A = arith.constant 1 : i32
      %sub3A_118 = arith.subi %div3A, %sub3A : i32
      %select_n3A = arith.select %and3A, %sub3A_118, %div3A : i32
      %jit3A_119 = arith.constant 8 : i32
      %eq3A = arith.constant 0 : i32
      %eq3A_120 = arith.cmpi eq, %jit3A_119, %eq3A : i32
      %jit3A_121 = arith.constant 1 : i32
      %select_n3A_122 = arith.select %eq3A_120, %jit3A_121, %jit3A_119 : i32
      %rem3A_123 = arith.remsi %scan3A_101, %select_n3A_122 : i32
      %ne3A_124 = arith.constant 0 : i32
      %ne3A_125 = arith.cmpi ne, %rem3A_123, %ne3A_124 : i32
      %lt3A = arith.constant 0 : i32
      %lt3A_126 = arith.cmpi slt, %rem3A_123, %lt3A : i32
      %lt3A_127 = arith.constant 0 : i32
      %lt3A_128 = arith.cmpi slt, %select_n3A_122, %lt3A_127 : i32
      %ne3A_129 = arith.xori %lt3A_126, %lt3A_128 : i1
      %and3A_130 = arith.andi %ne3A_129, %ne3A_125 : i1
      %add3A_131 = arith.addi %rem3A_123, %select_n3A_122 : i32
      %select_n3A_132 = arith.select %and3A_130, %add3A_131, %rem3A_123 : i32
      %mul3A_133 = arith.constant 16 : i32
      %mul3A_134 = arith.muli %select_n3A_132, %mul3A_133 : i32
      %swap3A = arith.index_cast %select_n3A : i32 to index
      %swap3A_135 = arith.index_cast %mul3A_134 : i32 to index
      %swap3A_136 = tpu.vector_load %arg8[%swap3A, %swap3A_135] {strides = array<i32>} : memref<128x128xf32, #tpu.memory_space<vmem>>, vector<1x16xf32>,
      %swap3A_137 = vector.shape_cast %swap3A_136 : vector<1x16xf32> to vector<16xf32>
      %swap3A_138 = vector.shape_cast %broadcast_in_dim3A_102 : vector<16xf32> to vector<1x16xf32>
      tpu.vector_store %arg8[%swap3A, %swap3A_135], %swap3A_138 {strides = array<i32>} : memref<128x128xf32, #tpu.memory_space<vmem>>, vector<1x16xf32>,
    }
    %scan3A_5 = arith.constant 1024 : i32
    %scan3A_6 = arith.constant 0 : i32
    %scan3A_7 = arith.constant 0 : i32
    %scan3A_8 = arith.constant 5 : i32
    %scan3A_9 = arith.addi %scan3A_7, %scan3A_8 : i32
    %scan3A_10 = arith.constant 1 : i32
    scf.for %scan3A_101 = %scan3A_7 to %scan3A_9 step %scan3A_10  : i32 {
      %mul3A_102 = arith.constant 640 : i32
      %mul3A_103 = arith.muli %arg1, %mul3A_102 : i32
      %mul3A_104 = arith.constant 128 : i32
      %mul3A_105 = arith.muli %scan3A_101, %mul3A_104 : i32
      %add3A_106 = arith.addi %mul3A_103, %mul3A_105 : i32
      "tpu.region"() ({
        %run_scoped3A = tpu.sem_alloc : memref<!tpu.dma_semaphore, #tpu.memory_space<semaphore_mem>>
        %dma_start3A_107 = arith.constant 0 : i32
        %dma_start3A_108 = tpu.memref_slice %arg10[%add3A_106, %dma_start3A_107] : memref<10240x128xf32, #tpu.memory_space<vmem_shared>> -> memref<128x128xf32, #tpu.memory_space<vmem_shared>>
        %dma_start3A_109 = arith.constant 0 : i32
        %dma_start3A_110 = tpu.memref_slice %arg10[%add3A_106, %dma_start3A_109] : memref<10240x128xf32, #tpu.memory_space<vmem_shared>> -> memref<128x128xf32, #tpu.memory_space<vmem_shared>>
        tpu.enqueue_dma source(%arg8 : memref<128x128xf32, #tpu.memory_space<vmem>>) target(%dma_start3A_110 : memref<128x128xf32, #tpu.memory_space<vmem_shared>>) target_semaphore(%run_scoped3A : memref<!tpu.dma_semaphore, #tpu.memory_space<semaphore_mem>>)
        %dma_wait3A_111 = arith.constant 0 : i32
        %dma_wait3A_112 = tpu.memref_slice %arg10[%add3A_106, %dma_wait3A_111] : memref<10240x128xf32, #tpu.memory_space<vmem_shared>> -> memref<128x128xf32, #tpu.memory_space<vmem_shared>>
        %dma_wait3A_113 = arith.constant 0 : i32
        %dma_wait3A_114 = tpu.memref_slice %arg10[%add3A_106, %dma_wait3A_113] : memref<10240x128xf32, #tpu.memory_space<vmem_shared>> -> memref<128x128xf32, #tpu.memory_space<vmem_shared>>
        tpu.wait_dma2 semaphore(%run_scoped3A : memref<!tpu.dma_semaphore, #tpu.memory_space<semaphore_mem>>) src(%arg8 : memref<128x128xf32, #tpu.memory_space<vmem>>) dst(%dma_wait3A_114 : memref<128x128xf32, #tpu.memory_space<vmem_shared>>)
        tpu.yield
      }) : () -> ()
    }
    %scan3A_11 = arith.constant 5 : i32
    %barrier3A = arith.constant 0 : index
    tpu.barrier barrier_id(%barrier3A)
    %mul3A_12 = arith.constant 80 : i32
    %mul3A_13 = arith.muli %add3A, %mul3A_12 : i32
    %add3A_14 = arith.constant 0 : i32
    %add3A_15 = arith.addi %mul3A_13, %add3A_14 : i32
    "tpu.region"() ({
      %run_scoped3A = tpu.sem_alloc : memref<!tpu.dma_semaphore, #tpu.memory_space<semaphore_mem>>
      %dma_start3A_101 = arith.constant 0 : i32
      %dma_start3A_102 = tpu.memref_slice %arg3[%add3A_15, %dma_start3A_101] : memref<2560x128xi32, #tpu.memory_space<hbm>> -> memref<40x128xi32, #tpu.memory_space<hbm>>
      %dma_start3A_103 = arith.constant 0 : i32
      %dma_start3A_104 = tpu.memref_slice %arg3[%add3A_15, %dma_start3A_103] : memref<2560x128xi32, #tpu.memory_space<hbm>> -> memref<40x128xi32, #tpu.memory_space<hbm>>
      tpu.enqueue_dma source(%dma_start3A_104 : memref<40x128xi32, #tpu.memory_space<hbm>>) target(%arg6 : memref<40x128xi32, #tpu.memory_space<vmem>>) target_semaphore(%run_scoped3A : memref<!tpu.dma_semaphore, #tpu.memory_space<semaphore_mem>>)
      %dma_wait3A_105 = arith.constant 0 : i32
      %dma_wait3A_106 = tpu.memref_slice %arg3[%add3A_15, %dma_wait3A_105] : memref<2560x128xi32, #tpu.memory_space<hbm>> -> memref<40x128xi32, #tpu.memory_space<hbm>>
      %dma_wait3A_107 = arith.constant 0 : i32
      %dma_wait3A_108 = tpu.memref_slice %arg3[%add3A_15, %dma_wait3A_107] : memref<2560x128xi32, #tpu.memory_space<hbm>> -> memref<40x128xi32, #tpu.memory_space<hbm>>
      tpu.wait_dma2 semaphore(%run_scoped3A : memref<!tpu.dma_semaphore, #tpu.memory_space<semaphore_mem>>) src(%dma_wait3A_108 : memref<40x128xi32, #tpu.memory_space<hbm>>) dst(%arg6 : memref<40x128xi32, #tpu.memory_space<vmem>>)
      tpu.yield
    }) : () -> ()
    %mul3A_16 = arith.constant 80 : i32
    %mul3A_17 = arith.muli %add3A, %mul3A_16 : i32
    %add3A_18 = arith.constant 0 : i32
    %add3A_19 = arith.addi %mul3A_17, %add3A_18 : i32
    "tpu.region"() ({
      %run_scoped3A = tpu.sem_alloc : memref<!tpu.dma_semaphore, #tpu.memory_space<semaphore_mem>>
      %dma_start3A_101 = arith.constant 0 : i32
      %dma_start3A_102 = tpu.memref_slice %arg4[%add3A_19, %dma_start3A_101] : memref<2560x128xi32, #tpu.memory_space<hbm>> -> memref<40x128xi32, #tpu.memory_space<hbm>>
      %dma_start3A_103 = arith.constant 0 : i32
      %dma_start3A_104 = tpu.memref_slice %arg4[%add3A_19, %dma_start3A_103] : memref<2560x128xi32, #tpu.memory_space<hbm>> -> memref<40x128xi32, #tpu.memory_space<hbm>>
      tpu.enqueue_dma source(%dma_start3A_104 : memref<40x128xi32, #tpu.memory_space<hbm>>) target(%arg7 : memref<40x128xi32, #tpu.memory_space<vmem>>) target_semaphore(%run_scoped3A : memref<!tpu.dma_semaphore, #tpu.memory_space<semaphore_mem>>)
      %dma_wait3A_105 = arith.constant 0 : i32
      %dma_wait3A_106 = tpu.memref_slice %arg4[%add3A_19, %dma_wait3A_105] : memref<2560x128xi32, #tpu.memory_space<hbm>> -> memref<40x128xi32, #tpu.memory_space<hbm>>
      %dma_wait3A_107 = arith.constant 0 : i32
      %dma_wait3A_108 = tpu.memref_slice %arg4[%add3A_19, %dma_wait3A_107] : memref<2560x128xi32, #tpu.memory_space<hbm>> -> memref<40x128xi32, #tpu.memory_space<hbm>>
      tpu.wait_dma2 semaphore(%run_scoped3A : memref<!tpu.dma_semaphore, #tpu.memory_space<semaphore_mem>>) src(%dma_wait3A_108 : memref<40x128xi32, #tpu.memory_space<hbm>>) dst(%arg7 : memref<40x128xi32, #tpu.memory_space<vmem>>)
      tpu.yield
    }) : () -> ()
    %dma_start3A = arith.constant 0 : i32
    %dma_start3A_20 = arith.constant 0 : i32
    %dma_start3A_21 = tpu.memref_slice %arg6[%dma_start3A, %dma_start3A_20] : memref<40x128xi32, #tpu.memory_space<vmem>> -> memref<1x128xi32, #tpu.memory_space<vmem>>
    %dma_start3A_22 = tpu.memref_squeeze %dma_start3A_21 : memref<1x128xi32, #tpu.memory_space<vmem>> -> memref<128xi32, #tpu.memory_space<vmem>>
    %dma_start3A_23 = arith.constant 0 : i32
    %dma_start3A_24 = arith.constant 0 : i32
    %dma_start3A_25 = tpu.memref_slice %arg2[%dma_start3A_23, %dma_start3A_24] : memref<10240x128xf32, #tpu.memory_space<hbm>> -> memref<10240x128xf32, #tpu.memory_space<hbm>>
    tpu.enqueue_indirect_dma source(%dma_start3A_25 : memref<10240x128xf32, #tpu.memory_space<hbm>>) target(%arg8 : memref<128x128xf32, #tpu.memory_space<vmem>>) offsets(%dma_start3A_22 : memref<128xi32, #tpu.memory_space<vmem>>) semaphore(%arg11 : memref<!tpu.dma_semaphore, #tpu.memory_space<semaphore_mem>>)
    %dma_start3A_26 = arith.constant 1 : i32
    %dma_start3A_27 = arith.constant 0 : i32
    %dma_start3A_28 = tpu.memref_slice %arg6[%dma_start3A_26, %dma_start3A_27] : memref<40x128xi32, #tpu.memory_space<vmem>> -> memref<1x128xi32, #tpu.memory_space<vmem>>
    %dma_start3A_29 = tpu.memref_squeeze %dma_start3A_28 : memref<1x128xi32, #tpu.memory_space<vmem>> -> memref<128xi32, #tpu.memory_space<vmem>>
    %dma_start3A_30 = arith.constant 0 : i32
    %dma_start3A_31 = arith.constant 0 : i32
    %dma_start3A_32 = tpu.memref_slice %arg2[%dma_start3A_30, %dma_start3A_31] : memref<10240x128xf32, #tpu.memory_space<hbm>> -> memref<10240x128xf32, #tpu.memory_space<hbm>>
    tpu.enqueue_indirect_dma source(%dma_start3A_32 : memref<10240x128xf32, #tpu.memory_space<hbm>>) target(%arg9 : memref<128x128xf32, #tpu.memory_space<vmem>>) offsets(%dma_start3A_29 : memref<128xi32, #tpu.memory_space<vmem>>) semaphore(%arg12 : memref<!tpu.dma_semaphore, #tpu.memory_space<semaphore_mem>>)
    %scan3A_33 = arith.constant 0 : i32
    %scan3A_34 = arith.constant 0 : i32
    %scan3A_35 = arith.constant 20 : i32
    %scan3A_36 = arith.addi %scan3A_34, %scan3A_35 : i32
    %scan3A_37 = arith.constant 1 : i32
    scf.for %scan3A_101 = %scan3A_34 to %scan3A_36 step %scan3A_37  : i32 {
      %mul3A_102 = arith.constant 2 : i32
      %mul3A_103 = arith.muli %mul3A_102, %scan3A_101 : i32
      %dma_wait3A_104 = arith.constant 0 : i32
      %dma_wait3A_105 = tpu.memref_slice %arg6[%mul3A_103, %dma_wait3A_104] : memref<40x128xi32, #tpu.memory_space<vmem>> -> memref<1x128xi32, #tpu.memory_space<vmem>>
      %dma_wait3A_106 = tpu.memref_squeeze %dma_wait3A_105 : memref<1x128xi32, #tpu.memory_space<vmem>> -> memref<128xi32, #tpu.memory_space<vmem>>
      %dma_wait3A_107 = arith.constant 0 : i32
      %dma_wait3A_108 = arith.constant 0 : i32
      %dma_wait3A_109 = tpu.memref_slice %arg2[%dma_wait3A_107, %dma_wait3A_108] : memref<10240x128xf32, #tpu.memory_space<hbm>> -> memref<10240x128xf32, #tpu.memory_space<hbm>>
      tpu.wait_indirect_dma semaphore(%arg11 : memref<!tpu.dma_semaphore, #tpu.memory_space<semaphore_mem>>) src(%dma_wait3A_109 : memref<10240x128xf32, #tpu.memory_space<hbm>>) dst(%arg8 : memref<128x128xf32, #tpu.memory_space<vmem>>)
      %dma_start3A_110 = arith.constant 0 : i32
      %dma_start3A_111 = tpu.memref_slice %arg7[%mul3A_103, %dma_start3A_110] : memref<40x128xi32, #tpu.memory_space<vmem>> -> memref<1x128xi32, #tpu.memory_space<vmem>>
      %dma_start3A_112 = tpu.memref_squeeze %dma_start3A_111 : memref<1x128xi32, #tpu.memory_space<vmem>> -> memref<128xi32, #tpu.memory_space<vmem>>
      %dma_start3A_113 = arith.constant 0 : i32
      %dma_start3A_114 = arith.constant 0 : i32
      %dma_start3A_115 = tpu.memref_slice %arg10[%dma_start3A_113, %dma_start3A_114] : memref<10240x128xf32, #tpu.memory_space<vmem_shared>> -> memref<10240x128xf32, #tpu.memory_space<vmem_shared>>
      tpu.enqueue_indirect_dma source(%arg8 : memref<128x128xf32, #tpu.memory_space<vmem>>) target(%dma_start3A_115 : memref<10240x128xf32, #tpu.memory_space<vmem_shared>>) offsets(%dma_start3A_112 : memref<128xi32, #tpu.memory_space<vmem>>) semaphore(%arg13 : memref<!tpu.dma_semaphore, #tpu.memory_space<semaphore_mem>>) {add = true}
      %add3A_116 = arith.constant 1 : i32
      %add3A_117 = arith.addi %mul3A_103, %add3A_116 : i32
      %dma_wait3A_118 = arith.constant 0 : i32
      %dma_wait3A_119 = tpu.memref_slice %arg6[%add3A_117, %dma_wait3A_118] : memref<40x128xi32, #tpu.memory_space<vmem>> -> memref<1x128xi32, #tpu.memory_space<vmem>>
      %dma_wait3A_120 = tpu.memref_squeeze %dma_wait3A_119 : memref<1x128xi32, #tpu.memory_space<vmem>> -> memref<128xi32, #tpu.memory_space<vmem>>
      %dma_wait3A_121 = arith.constant 0 : i32
      %dma_wait3A_122 = arith.constant 0 : i32
      %dma_wait3A_123 = tpu.memref_slice %arg2[%dma_wait3A_121, %dma_wait3A_122] : memref<10240x128xf32, #tpu.memory_space<hbm>> -> memref<10240x128xf32, #tpu.memory_space<hbm>>
      tpu.wait_indirect_dma semaphore(%arg12 : memref<!tpu.dma_semaphore, #tpu.memory_space<semaphore_mem>>) src(%dma_wait3A_123 : memref<10240x128xf32, #tpu.memory_space<hbm>>) dst(%arg9 : memref<128x128xf32, #tpu.memory_space<vmem>>)
      %add3A_124 = arith.constant 1 : i32
      %add3A_125 = arith.addi %mul3A_103, %add3A_124 : i32
      %dma_start3A_126 = arith.constant 0 : i32
      %dma_start3A_127 = tpu.memref_slice %arg7[%add3A_125, %dma_start3A_126] : memref<40x128xi32, #tpu.memory_space<vmem>> -> memref<1x128xi32, #tpu.memory_space<vmem>>
      %dma_start3A_128 = tpu.memref_squeeze %dma_start3A_127 : memref<1x128xi32, #tpu.memory_space<vmem>> -> memref<128xi32, #tpu.memory_space<vmem>>
      %dma_start3A_129 = arith.constant 0 : i32
      %dma_start3A_130 = arith.constant 0 : i32
      %dma_start3A_131 = tpu.memref_slice %arg10[%dma_start3A_129, %dma_start3A_130] : memref<10240x128xf32, #tpu.memory_space<vmem_shared>> -> memref<10240x128xf32, #tpu.memory_space<vmem_shared>>
      tpu.enqueue_indirect_dma source(%arg9 : memref<128x128xf32, #tpu.memory_space<vmem>>) target(%dma_start3A_131 : memref<10240x128xf32, #tpu.memory_space<vmem_shared>>) offsets(%dma_start3A_128 : memref<128xi32, #tpu.memory_space<vmem>>) semaphore(%arg14 : memref<!tpu.dma_semaphore, #tpu.memory_space<semaphore_mem>>) {add = true}
      %lt3A = arith.constant 19 : i32
      %lt3A_132 = arith.cmpi slt, %scan3A_101, %lt3A : i32
      %convert_element_type3A = arith.extui %lt3A_132 : i1 to i32
      %cond3A = arith.constant 0 : i32
      %cond3A_133 = arith.cmpi ne, %convert_element_type3A, %cond3A : i32
      scf.if %cond3A_133 {
        %dma_wait3A_134 = arith.constant 0 : i32
        %dma_wait3A_135 = tpu.memref_slice %arg7[%mul3A_103, %dma_wait3A_134] : memref<40x128xi32, #tpu.memory_space<vmem>> -> memref<1x128xi32, #tpu.memory_space<vmem>>
        %dma_wait3A_136 = tpu.memref_squeeze %dma_wait3A_135 : memref<1x128xi32, #tpu.memory_space<vmem>> -> memref<128xi32, #tpu.memory_space<vmem>>
        %dma_wait3A_137 = arith.constant 0 : i32
        %dma_wait3A_138 = arith.constant 0 : i32
        %dma_wait3A_139 = tpu.memref_slice %arg10[%dma_wait3A_137, %dma_wait3A_138] : memref<10240x128xf32, #tpu.memory_space<vmem_shared>> -> memref<10240x128xf32, #tpu.memory_space<vmem_shared>>
        tpu.wait_indirect_dma semaphore(%arg13 : memref<!tpu.dma_semaphore, #tpu.memory_space<semaphore_mem>>) src(%arg8 : memref<128x128xf32, #tpu.memory_space<vmem>>) dst(%dma_wait3A_139 : memref<10240x128xf32, #tpu.memory_space<vmem_shared>>)
        %add3A_140 = arith.constant 2 : i32
        %add3A_141 = arith.addi %mul3A_103, %add3A_140 : i32
        %dma_start3A_142 = arith.constant 0 : i32
        %dma_start3A_143 = tpu.memref_slice %arg6[%add3A_141, %dma_start3A_142] : memref<40x128xi32, #tpu.memory_space<vmem>> -> memref<1x128xi32, #tpu.memory_space<vmem>>
        %dma_start3A_144 = tpu.memref_squeeze %dma_start3A_143 : memref<1x128xi32, #tpu.memory_space<vmem>> -> memref<128xi32, #tpu.memory_space<vmem>>
        %dma_start3A_145 = arith.constant 0 : i32
        %dma_start3A_146 = arith.constant 0 : i32
        %dma_start3A_147 = tpu.memref_slice %arg2[%dma_start3A_145, %dma_start3A_146] : memref<10240x128xf32, #tpu.memory_space<hbm>> -> memref<10240x128xf32, #tpu.memory_space<hbm>>
        tpu.enqueue_indirect_dma source(%dma_start3A_147 : memref<10240x128xf32, #tpu.memory_space<hbm>>) target(%arg8 : memref<128x128xf32, #tpu.memory_space<vmem>>) offsets(%dma_start3A_144 : memref<128xi32, #tpu.memory_space<vmem>>) semaphore(%arg11 : memref<!tpu.dma_semaphore, #tpu.memory_space<semaphore_mem>>)
        %add3A_148 = arith.constant 1 : i32
        %add3A_149 = arith.addi %mul3A_103, %add3A_148 : i32
        %dma_wait3A_150 = arith.constant 0 : i32
        %dma_wait3A_151 = tpu.memref_slice %arg7[%add3A_149, %dma_wait3A_150] : memref<40x128xi32, #tpu.memory_space<vmem>> -> memref<1x128xi32, #tpu.memory_space<vmem>>
        %dma_wait3A_152 = tpu.memref_squeeze %dma_wait3A_151 : memref<1x128xi32, #tpu.memory_space<vmem>> -> memref<128xi32, #tpu.memory_space<vmem>>
        %dma_wait3A_153 = arith.constant 0 : i32
        %dma_wait3A_154 = arith.constant 0 : i32
        %dma_wait3A_155 = tpu.memref_slice %arg10[%dma_wait3A_153, %dma_wait3A_154] : memref<10240x128xf32, #tpu.memory_space<vmem_shared>> -> memref<10240x128xf32, #tpu.memory_space<vmem_shared>>
        tpu.wait_indirect_dma semaphore(%arg14 : memref<!tpu.dma_semaphore, #tpu.memory_space<semaphore_mem>>) src(%arg9 : memref<128x128xf32, #tpu.memory_space<vmem>>) dst(%dma_wait3A_155 : memref<10240x128xf32, #tpu.memory_space<vmem_shared>>)
        %add3A_156 = arith.constant 3 : i32
        %add3A_157 = arith.addi %mul3A_103, %add3A_156 : i32
        %dma_start3A_158 = arith.constant 0 : i32
        %dma_start3A_159 = tpu.memref_slice %arg6[%add3A_157, %dma_start3A_158] : memref<40x128xi32, #tpu.memory_space<vmem>> -> memref<1x128xi32, #tpu.memory_space<vmem>>
        %dma_start3A_160 = tpu.memref_squeeze %dma_start3A_159 : memref<1x128xi32, #tpu.memory_space<vmem>> -> memref<128xi32, #tpu.memory_space<vmem>>
        %dma_start3A_161 = arith.constant 0 : i32
        %dma_start3A_162 = arith.constant 0 : i32
        %dma_start3A_163 = tpu.memref_slice %arg2[%dma_start3A_161, %dma_start3A_162] : memref<10240x128xf32, #tpu.memory_space<hbm>> -> memref<10240x128xf32, #tpu.memory_space<hbm>>
        tpu.enqueue_indirect_dma source(%dma_start3A_163 : memref<10240x128xf32, #tpu.memory_space<hbm>>) target(%arg9 : memref<128x128xf32, #tpu.memory_space<vmem>>) offsets(%dma_start3A_160 : memref<128xi32, #tpu.memory_space<vmem>>) semaphore(%arg12 : memref<!tpu.dma_semaphore, #tpu.memory_space<semaphore_mem>>)
      } else {
      }
    }
    %scan3A_38 = arith.constant 20 : i32
    %dma_wait3A = arith.constant 38 : i32
    %dma_wait3A_39 = arith.constant 0 : i32
    %dma_wait3A_40 = tpu.memref_slice %arg7[%dma_wait3A, %dma_wait3A_39] : memref<40x128xi32, #tpu.memory_space<vmem>> -> memref<1x128xi32, #tpu.memory_space<vmem>>
    %dma_wait3A_41 = tpu.memref_squeeze %dma_wait3A_40 : memref<1x128xi32, #tpu.memory_space<vmem>> -> memref<128xi32, #tpu.memory_space<vmem>>
    %dma_wait3A_42 = arith.constant 0 : i32
    %dma_wait3A_43 = arith.constant 0 : i32
    %dma_wait3A_44 = tpu.memref_slice %arg10[%dma_wait3A_42, %dma_wait3A_43] : memref<10240x128xf32, #tpu.memory_space<vmem_shared>> -> memref<10240x128xf32, #tpu.memory_space<vmem_shared>>
    tpu.wait_indirect_dma semaphore(%arg13 : memref<!tpu.dma_semaphore, #tpu.memory_space<semaphore_mem>>) src(%arg8 : memref<128x128xf32, #tpu.memory_space<vmem>>) dst(%dma_wait3A_44 : memref<10240x128xf32, #tpu.memory_space<vmem_shared>>)
    %dma_wait3A_45 = arith.constant 39 : i32
    %dma_wait3A_46 = arith.constant 0 : i32
    %dma_wait3A_47 = tpu.memref_slice %arg7[%dma_wait3A_45, %dma_wait3A_46] : memref<40x128xi32, #tpu.memory_space<vmem>> -> memref<1x128xi32, #tpu.memory_space<vmem>>
    %dma_wait3A_48 = tpu.memref_squeeze %dma_wait3A_47 : memref<1x128xi32, #tpu.memory_space<vmem>> -> memref<128xi32, #tpu.memory_space<vmem>>
    %dma_wait3A_49 = arith.constant 0 : i32
    %dma_wait3A_50 = arith.constant 0 : i32
    %dma_wait3A_51 = tpu.memref_slice %arg10[%dma_wait3A_49, %dma_wait3A_50] : memref<10240x128xf32, #tpu.memory_space<vmem_shared>> -> memref<10240x128xf32, #tpu.memory_space<vmem_shared>>
    tpu.wait_indirect_dma semaphore(%arg14 : memref<!tpu.dma_semaphore, #tpu.memory_space<semaphore_mem>>) src(%arg9 : memref<128x128xf32, #tpu.memory_space<vmem>>) dst(%dma_wait3A_51 : memref<10240x128xf32, #tpu.memory_space<vmem_shared>>)
    %mul3A_52 = arith.constant 80 : i32
    %mul3A_53 = arith.muli %add3A, %mul3A_52 : i32
    %add3A_54 = arith.constant 40 : i32
    %add3A_55 = arith.addi %mul3A_53, %add3A_54 : i32
    "tpu.region"() ({
      %run_scoped3A = tpu.sem_alloc : memref<!tpu.dma_semaphore, #tpu.memory_space<semaphore_mem>>
      %dma_start3A_101 = arith.constant 0 : i32
      %dma_start3A_102 = tpu.memref_slice %arg3[%add3A_55, %dma_start3A_101] : memref<2560x128xi32, #tpu.memory_space<hbm>> -> memref<40x128xi32, #tpu.memory_space<hbm>>
      %dma_start3A_103 = arith.constant 0 : i32
      %dma_start3A_104 = tpu.memref_slice %arg3[%add3A_55, %dma_start3A_103] : memref<2560x128xi32, #tpu.memory_space<hbm>> -> memref<40x128xi32, #tpu.memory_space<hbm>>
      tpu.enqueue_dma source(%dma_start3A_104 : memref<40x128xi32, #tpu.memory_space<hbm>>) target(%arg6 : memref<40x128xi32, #tpu.memory_space<vmem>>) target_semaphore(%run_scoped3A : memref<!tpu.dma_semaphore, #tpu.memory_space<semaphore_mem>>)
      %dma_wait3A_105 = arith.constant 0 : i32
      %dma_wait3A_106 = tpu.memref_slice %arg3[%add3A_55, %dma_wait3A_105] : memref<2560x128xi32, #tpu.memory_space<hbm>> -> memref<40x128xi32, #tpu.memory_space<hbm>>
      %dma_wait3A_107 = arith.constant 0 : i32
      %dma_wait3A_108 = tpu.memref_slice %arg3[%add3A_55, %dma_wait3A_107] : memref<2560x128xi32, #tpu.memory_space<hbm>> -> memref<40x128xi32, #tpu.memory_space<hbm>>
      tpu.wait_dma2 semaphore(%run_scoped3A : memref<!tpu.dma_semaphore, #tpu.memory_space<semaphore_mem>>) src(%dma_wait3A_108 : memref<40x128xi32, #tpu.memory_space<hbm>>) dst(%arg6 : memref<40x128xi32, #tpu.memory_space<vmem>>)
      tpu.yield
    }) : () -> ()
    %mul3A_56 = arith.constant 80 : i32
    %mul3A_57 = arith.muli %add3A, %mul3A_56 : i32
    %add3A_58 = arith.constant 40 : i32
    %add3A_59 = arith.addi %mul3A_57, %add3A_58 : i32
    "tpu.region"() ({
      %run_scoped3A = tpu.sem_alloc : memref<!tpu.dma_semaphore, #tpu.memory_space<semaphore_mem>>
      %dma_start3A_101 = arith.constant 0 : i32
      %dma_start3A_102 = tpu.memref_slice %arg4[%add3A_59, %dma_start3A_101] : memref<2560x128xi32, #tpu.memory_space<hbm>> -> memref<40x128xi32, #tpu.memory_space<hbm>>
      %dma_start3A_103 = arith.constant 0 : i32
      %dma_start3A_104 = tpu.memref_slice %arg4[%add3A_59, %dma_start3A_103] : memref<2560x128xi32, #tpu.memory_space<hbm>> -> memref<40x128xi32, #tpu.memory_space<hbm>>
      tpu.enqueue_dma source(%dma_start3A_104 : memref<40x128xi32, #tpu.memory_space<hbm>>) target(%arg7 : memref<40x128xi32, #tpu.memory_space<vmem>>) target_semaphore(%run_scoped3A : memref<!tpu.dma_semaphore, #tpu.memory_space<semaphore_mem>>)
      %dma_wait3A_105 = arith.constant 0 : i32
      %dma_wait3A_106 = tpu.memref_slice %arg4[%add3A_59, %dma_wait3A_105] : memref<2560x128xi32, #tpu.memory_space<hbm>> -> memref<40x128xi32, #tpu.memory_space<hbm>>
      %dma_wait3A_107 = arith.constant 0 : i32
      %dma_wait3A_108 = tpu.memref_slice %arg4[%add3A_59, %dma_wait3A_107] : memref<2560x128xi32, #tpu.memory_space<hbm>> -> memref<40x128xi32, #tpu.memory_space<hbm>>
      tpu.wait_dma2 semaphore(%run_scoped3A : memref<!tpu.dma_semaphore, #tpu.memory_space<semaphore_mem>>) src(%dma_wait3A_108 : memref<40x128xi32, #tpu.memory_space<hbm>>) dst(%arg7 : memref<40x128xi32, #tpu.memory_space<vmem>>)
      tpu.yield
    }) : () -> ()
    %dma_start3A_60 = arith.constant 0 : i32
    %dma_start3A_61 = arith.constant 0 : i32
    %dma_start3A_62 = tpu.memref_slice %arg6[%dma_start3A_60, %dma_start3A_61] : memref<40x128xi32, #tpu.memory_space<vmem>> -> memref<1x128xi32, #tpu.memory_space<vmem>>
    %dma_start3A_63 = tpu.memref_squeeze %dma_start3A_62 : memref<1x128xi32, #tpu.memory_space<vmem>> -> memref<128xi32, #tpu.memory_space<vmem>>
    %dma_start3A_64 = arith.constant 0 : i32
    %dma_start3A_65 = arith.constant 0 : i32
    %dma_start3A_66 = tpu.memref_slice %arg2[%dma_start3A_64, %dma_start3A_65] : memref<10240x128xf32, #tpu.memory_space<hbm>> -> memref<10240x128xf32, #tpu.memory_space<hbm>>
    tpu.enqueue_indirect_dma source(%dma_start3A_66 : memref<10240x128xf32, #tpu.memory_space<hbm>>) target(%arg8 : memref<128x128xf32, #tpu.memory_space<vmem>>) offsets(%dma_start3A_63 : memref<128xi32, #tpu.memory_space<vmem>>) semaphore(%arg11 : memref<!tpu.dma_semaphore, #tpu.memory_space<semaphore_mem>>)
    %dma_start3A_67 = arith.constant 1 : i32
    %dma_start3A_68 = arith.constant 0 : i32
    %dma_start3A_69 = tpu.memref_slice %arg6[%dma_start3A_67, %dma_start3A_68] : memref<40x128xi32, #tpu.memory_space<vmem>> -> memref<1x128xi32, #tpu.memory_space<vmem>>
    %dma_start3A_70 = tpu.memref_squeeze %dma_start3A_69 : memref<1x128xi32, #tpu.memory_space<vmem>> -> memref<128xi32, #tpu.memory_space<vmem>>
    %dma_start3A_71 = arith.constant 0 : i32
    %dma_start3A_72 = arith.constant 0 : i32
    %dma_start3A_73 = tpu.memref_slice %arg2[%dma_start3A_71, %dma_start3A_72] : memref<10240x128xf32, #tpu.memory_space<hbm>> -> memref<10240x128xf32, #tpu.memory_space<hbm>>
    tpu.enqueue_indirect_dma source(%dma_start3A_73 : memref<10240x128xf32, #tpu.memory_space<hbm>>) target(%arg9 : memref<128x128xf32, #tpu.memory_space<vmem>>) offsets(%dma_start3A_70 : memref<128xi32, #tpu.memory_space<vmem>>) semaphore(%arg12 : memref<!tpu.dma_semaphore, #tpu.memory_space<semaphore_mem>>)
    %scan3A_74 = arith.constant 0 : i32
    %scan3A_75 = arith.constant 0 : i32
    %scan3A_76 = arith.constant 20 : i32
    %scan3A_77 = arith.addi %scan3A_75, %scan3A_76 : i32
    %scan3A_78 = arith.constant 1 : i32
    scf.for %scan3A_101 = %scan3A_75 to %scan3A_77 step %scan3A_78  : i32 {
      %mul3A_102 = arith.constant 2 : i32
      %mul3A_103 = arith.muli %mul3A_102, %scan3A_101 : i32
      %dma_wait3A_104 = arith.constant 0 : i32
      %dma_wait3A_105 = tpu.memref_slice %arg6[%mul3A_103, %dma_wait3A_104] : memref<40x128xi32, #tpu.memory_space<vmem>> -> memref<1x128xi32, #tpu.memory_space<vmem>>
      %dma_wait3A_106 = tpu.memref_squeeze %dma_wait3A_105 : memref<1x128xi32, #tpu.memory_space<vmem>> -> memref<128xi32, #tpu.memory_space<vmem>>
      %dma_wait3A_107 = arith.constant 0 : i32
      %dma_wait3A_108 = arith.constant 0 : i32
      %dma_wait3A_109 = tpu.memref_slice %arg2[%dma_wait3A_107, %dma_wait3A_108] : memref<10240x128xf32, #tpu.memory_space<hbm>> -> memref<10240x128xf32, #tpu.memory_space<hbm>>
      tpu.wait_indirect_dma semaphore(%arg11 : memref<!tpu.dma_semaphore, #tpu.memory_space<semaphore_mem>>) src(%dma_wait3A_109 : memref<10240x128xf32, #tpu.memory_space<hbm>>) dst(%arg8 : memref<128x128xf32, #tpu.memory_space<vmem>>)
      %dma_start3A_110 = arith.constant 0 : i32
      %dma_start3A_111 = tpu.memref_slice %arg7[%mul3A_103, %dma_start3A_110] : memref<40x128xi32, #tpu.memory_space<vmem>> -> memref<1x128xi32, #tpu.memory_space<vmem>>
      %dma_start3A_112 = tpu.memref_squeeze %dma_start3A_111 : memref<1x128xi32, #tpu.memory_space<vmem>> -> memref<128xi32, #tpu.memory_space<vmem>>
      %dma_start3A_113 = arith.constant 0 : i32
      %dma_start3A_114 = arith.constant 0 : i32
      %dma_start3A_115 = tpu.memref_slice %arg10[%dma_start3A_113, %dma_start3A_114] : memref<10240x128xf32, #tpu.memory_space<vmem_shared>> -> memref<10240x128xf32, #tpu.memory_space<vmem_shared>>
      tpu.enqueue_indirect_dma source(%arg8 : memref<128x128xf32, #tpu.memory_space<vmem>>) target(%dma_start3A_115 : memref<10240x128xf32, #tpu.memory_space<vmem_shared>>) offsets(%dma_start3A_112 : memref<128xi32, #tpu.memory_space<vmem>>) semaphore(%arg13 : memref<!tpu.dma_semaphore, #tpu.memory_space<semaphore_mem>>) {add = true}
      %add3A_116 = arith.constant 1 : i32
      %add3A_117 = arith.addi %mul3A_103, %add3A_116 : i32
      %dma_wait3A_118 = arith.constant 0 : i32
      %dma_wait3A_119 = tpu.memref_slice %arg6[%add3A_117, %dma_wait3A_118] : memref<40x128xi32, #tpu.memory_space<vmem>> -> memref<1x128xi32, #tpu.memory_space<vmem>>
      %dma_wait3A_120 = tpu.memref_squeeze %dma_wait3A_119 : memref<1x128xi32, #tpu.memory_space<vmem>> -> memref<128xi32, #tpu.memory_space<vmem>>
      %dma_wait3A_121 = arith.constant 0 : i32
      %dma_wait3A_122 = arith.constant 0 : i32
      %dma_wait3A_123 = tpu.memref_slice %arg2[%dma_wait3A_121, %dma_wait3A_122] : memref<10240x128xf32, #tpu.memory_space<hbm>> -> memref<10240x128xf32, #tpu.memory_space<hbm>>
      tpu.wait_indirect_dma semaphore(%arg12 : memref<!tpu.dma_semaphore, #tpu.memory_space<semaphore_mem>>) src(%dma_wait3A_123 : memref<10240x128xf32, #tpu.memory_space<hbm>>) dst(%arg9 : memref<128x128xf32, #tpu.memory_space<vmem>>)
      %add3A_124 = arith.constant 1 : i32
      %add3A_125 = arith.addi %mul3A_103, %add3A_124 : i32
      %dma_start3A_126 = arith.constant 0 : i32
      %dma_start3A_127 = tpu.memref_slice %arg7[%add3A_125, %dma_start3A_126] : memref<40x128xi32, #tpu.memory_space<vmem>> -> memref<1x128xi32, #tpu.memory_space<vmem>>
      %dma_start3A_128 = tpu.memref_squeeze %dma_start3A_127 : memref<1x128xi32, #tpu.memory_space<vmem>> -> memref<128xi32, #tpu.memory_space<vmem>>
      %dma_start3A_129 = arith.constant 0 : i32
      %dma_start3A_130 = arith.constant 0 : i32
      %dma_start3A_131 = tpu.memref_slice %arg10[%dma_start3A_129, %dma_start3A_130] : memref<10240x128xf32, #tpu.memory_space<vmem_shared>> -> memref<10240x128xf32, #tpu.memory_space<vmem_shared>>
      tpu.enqueue_indirect_dma source(%arg9 : memref<128x128xf32, #tpu.memory_space<vmem>>) target(%dma_start3A_131 : memref<10240x128xf32, #tpu.memory_space<vmem_shared>>) offsets(%dma_start3A_128 : memref<128xi32, #tpu.memory_space<vmem>>) semaphore(%arg14 : memref<!tpu.dma_semaphore, #tpu.memory_space<semaphore_mem>>) {add = true}
      %lt3A = arith.constant 19 : i32
      %lt3A_132 = arith.cmpi slt, %scan3A_101, %lt3A : i32
      %convert_element_type3A = arith.extui %lt3A_132 : i1 to i32
      %cond3A = arith.constant 0 : i32
      %cond3A_133 = arith.cmpi ne, %convert_element_type3A, %cond3A : i32
      scf.if %cond3A_133 {
        %dma_wait3A_134 = arith.constant 0 : i32
        %dma_wait3A_135 = tpu.memref_slice %arg7[%mul3A_103, %dma_wait3A_134] : memref<40x128xi32, #tpu.memory_space<vmem>> -> memref<1x128xi32, #tpu.memory_space<vmem>>
        %dma_wait3A_136 = tpu.memref_squeeze %dma_wait3A_135 : memref<1x128xi32, #tpu.memory_space<vmem>> -> memref<128xi32, #tpu.memory_space<vmem>>
        %dma_wait3A_137 = arith.constant 0 : i32
        %dma_wait3A_138 = arith.constant 0 : i32
        %dma_wait3A_139 = tpu.memref_slice %arg10[%dma_wait3A_137, %dma_wait3A_138] : memref<10240x128xf32, #tpu.memory_space<vmem_shared>> -> memref<10240x128xf32, #tpu.memory_space<vmem_shared>>
        tpu.wait_indirect_dma semaphore(%arg13 : memref<!tpu.dma_semaphore, #tpu.memory_space<semaphore_mem>>) src(%arg8 : memref<128x128xf32, #tpu.memory_space<vmem>>) dst(%dma_wait3A_139 : memref<10240x128xf32, #tpu.memory_space<vmem_shared>>)
        %add3A_140 = arith.constant 2 : i32
        %add3A_141 = arith.addi %mul3A_103, %add3A_140 : i32
        %dma_start3A_142 = arith.constant 0 : i32
        %dma_start3A_143 = tpu.memref_slice %arg6[%add3A_141, %dma_start3A_142] : memref<40x128xi32, #tpu.memory_space<vmem>> -> memref<1x128xi32, #tpu.memory_space<vmem>>
        %dma_start3A_144 = tpu.memref_squeeze %dma_start3A_143 : memref<1x128xi32, #tpu.memory_space<vmem>> -> memref<128xi32, #tpu.memory_space<vmem>>
        %dma_start3A_145 = arith.constant 0 : i32
        %dma_start3A_146 = arith.constant 0 : i32
        %dma_start3A_147 = tpu.memref_slice %arg2[%dma_start3A_145, %dma_start3A_146] : memref<10240x128xf32, #tpu.memory_space<hbm>> -> memref<10240x128xf32, #tpu.memory_space<hbm>>
        tpu.enqueue_indirect_dma source(%dma_start3A_147 : memref<10240x128xf32, #tpu.memory_space<hbm>>) target(%arg8 : memref<128x128xf32, #tpu.memory_space<vmem>>) offsets(%dma_start3A_144 : memref<128xi32, #tpu.memory_space<vmem>>) semaphore(%arg11 : memref<!tpu.dma_semaphore, #tpu.memory_space<semaphore_mem>>)
        %add3A_148 = arith.constant 1 : i32
        %add3A_149 = arith.addi %mul3A_103, %add3A_148 : i32
        %dma_wait3A_150 = arith.constant 0 : i32
        %dma_wait3A_151 = tpu.memref_slice %arg7[%add3A_149, %dma_wait3A_150] : memref<40x128xi32, #tpu.memory_space<vmem>> -> memref<1x128xi32, #tpu.memory_space<vmem>>
        %dma_wait3A_152 = tpu.memref_squeeze %dma_wait3A_151 : memref<1x128xi32, #tpu.memory_space<vmem>> -> memref<128xi32, #tpu.memory_space<vmem>>
        %dma_wait3A_153 = arith.constant 0 : i32
        %dma_wait3A_154 = arith.constant 0 : i32
        %dma_wait3A_155 = tpu.memref_slice %arg10[%dma_wait3A_153, %dma_wait3A_154] : memref<10240x128xf32, #tpu.memory_space<vmem_shared>> -> memref<10240x128xf32, #tpu.memory_space<vmem_shared>>
        tpu.wait_indirect_dma semaphore(%arg14 : memref<!tpu.dma_semaphore, #tpu.memory_space<semaphore_mem>>) src(%arg9 : memref<128x128xf32, #tpu.memory_space<vmem>>) dst(%dma_wait3A_155 : memref<10240x128xf32, #tpu.memory_space<vmem_shared>>)
        %add3A_156 = arith.constant 3 : i32
        %add3A_157 = arith.addi %mul3A_103, %add3A_156 : i32
        %dma_start3A_158 = arith.constant 0 : i32
        %dma_start3A_159 = tpu.memref_slice %arg6[%add3A_157, %dma_start3A_158] : memref<40x128xi32, #tpu.memory_space<vmem>> -> memref<1x128xi32, #tpu.memory_space<vmem>>
        %dma_start3A_160 = tpu.memref_squeeze %dma_start3A_159 : memref<1x128xi32, #tpu.memory_space<vmem>> -> memref<128xi32, #tpu.memory_space<vmem>>
        %dma_start3A_161 = arith.constant 0 : i32
        %dma_start3A_162 = arith.constant 0 : i32
        %dma_start3A_163 = tpu.memref_slice %arg2[%dma_start3A_161, %dma_start3A_162] : memref<10240x128xf32, #tpu.memory_space<hbm>> -> memref<10240x128xf32, #tpu.memory_space<hbm>>
        tpu.enqueue_indirect_dma source(%dma_start3A_163 : memref<10240x128xf32, #tpu.memory_space<hbm>>) target(%arg9 : memref<128x128xf32, #tpu.memory_space<vmem>>) offsets(%dma_start3A_160 : memref<128xi32, #tpu.memory_space<vmem>>) semaphore(%arg12 : memref<!tpu.dma_semaphore, #tpu.memory_space<semaphore_mem>>)
      } else {
      }
    }
    %scan3A_79 = arith.constant 20 : i32
    %dma_wait3A_80 = arith.constant 38 : i32
    %dma_wait3A_81 = arith.constant 0 : i32
    %dma_wait3A_82 = tpu.memref_slice %arg7[%dma_wait3A_80, %dma_wait3A_81] : memref<40x128xi32, #tpu.memory_space<vmem>> -> memref<1x128xi32, #tpu.memory_space<vmem>>
    %dma_wait3A_83 = tpu.memref_squeeze %dma_wait3A_82 : memref<1x128xi32, #tpu.memory_space<vmem>> -> memref<128xi32, #tpu.memory_space<vmem>>
    %dma_wait3A_84 = arith.constant 0 : i32
    %dma_wait3A_85 = arith.constant 0 : i32
    %dma_wait3A_86 = tpu.memref_slice %arg10[%dma_wait3A_84, %dma_wait3A_85] : memref<10240x128xf32, #tpu.memory_space<vmem_shared>> -> memref<10240x128xf32, #tpu.memory_space<vmem_shared>>
    tpu.wait_indirect_dma semaphore(%arg13 : memref<!tpu.dma_semaphore, #tpu.memory_space<semaphore_mem>>) src(%arg8 : memref<128x128xf32, #tpu.memory_space<vmem>>) dst(%dma_wait3A_86 : memref<10240x128xf32, #tpu.memory_space<vmem_shared>>)
    %dma_wait3A_87 = arith.constant 39 : i32
    %dma_wait3A_88 = arith.constant 0 : i32
    %dma_wait3A_89 = tpu.memref_slice %arg7[%dma_wait3A_87, %dma_wait3A_88] : memref<40x128xi32, #tpu.memory_space<vmem>> -> memref<1x128xi32, #tpu.memory_space<vmem>>
    %dma_wait3A_90 = tpu.memref_squeeze %dma_wait3A_89 : memref<1x128xi32, #tpu.memory_space<vmem>> -> memref<128xi32, #tpu.memory_space<vmem>>
    %dma_wait3A_91 = arith.constant 0 : i32
    %dma_wait3A_92 = arith.constant 0 : i32
    %dma_wait3A_93 = tpu.memref_slice %arg10[%dma_wait3A_91, %dma_wait3A_92] : memref<10240x128xf32, #tpu.memory_space<vmem_shared>> -> memref<10240x128xf32, #tpu.memory_space<vmem_shared>>
    tpu.wait_indirect_dma semaphore(%arg14 : memref<!tpu.dma_semaphore, #tpu.memory_space<semaphore_mem>>) src(%arg9 : memref<128x128xf32, #tpu.memory_space<vmem>>) dst(%dma_wait3A_93 : memref<10240x128xf32, #tpu.memory_space<vmem_shared>>)
    %barrier3A_94 = arith.constant 0 : index
    tpu.barrier barrier_id(%barrier3A_94)
    %scan3A_95 = arith.constant 0 : i32
    %scan3A_96 = arith.constant 0 : i32
    %scan3A_97 = arith.constant 5 : i32
    %scan3A_98 = arith.addi %scan3A_96, %scan3A_97 : i32
    %scan3A_99 = arith.constant 1 : i32
    scf.for %scan3A_101 = %scan3A_96 to %scan3A_98 step %scan3A_99  : i32 {
      %mul3A_102 = arith.constant 640 : i32
      %mul3A_103 = arith.muli %arg1, %mul3A_102 : i32
      %mul3A_104 = arith.constant 128 : i32
      %mul3A_105 = arith.muli %scan3A_101, %mul3A_104 : i32
      %add3A_106 = arith.addi %mul3A_103, %mul3A_105 : i32
      %mul3A_107 = arith.constant 640 : i32
      %mul3A_108 = arith.muli %arg1, %mul3A_107 : i32
      %mul3A_109 = arith.constant 128 : i32
      %mul3A_110 = arith.muli %scan3A_101, %mul3A_109 : i32
      %add3A_111 = arith.addi %mul3A_108, %mul3A_110 : i32
      "tpu.region"() ({
        %run_scoped3A = tpu.sem_alloc : memref<!tpu.dma_semaphore, #tpu.memory_space<semaphore_mem>>
        %dma_start3A_112 = arith.constant 0 : i32
        %dma_start3A_113 = tpu.memref_slice %arg5[%arg0, %add3A_111, %dma_start3A_112] : memref<2x10240x128xf32, #tpu.memory_space<hbm>> -> memref<1x128x128xf32, #tpu.memory_space<hbm>>
        %dma_start3A_114 = tpu.memref_squeeze %dma_start3A_113 : memref<1x128x128xf32, #tpu.memory_space<hbm>> -> memref<128x128xf32, #tpu.memory_space<hbm>>
        %dma_start3A_115 = arith.constant 0 : i32
        %dma_start3A_116 = tpu.memref_slice %arg10[%add3A_106, %dma_start3A_115] : memref<10240x128xf32, #tpu.memory_space<vmem_shared>> -> memref<128x128xf32, #tpu.memory_space<vmem_shared>>
        tpu.enqueue_dma source(%dma_start3A_116 : memref<128x128xf32, #tpu.memory_space<vmem_shared>>) target(%dma_start3A_114 : memref<128x128xf32, #tpu.memory_space<hbm>>) target_semaphore(%run_scoped3A : memref<!tpu.dma_semaphore, #tpu.memory_space<semaphore_mem>>)
        %dma_wait3A_117 = arith.constant 0 : i32
        %dma_wait3A_118 = tpu.memref_slice %arg5[%arg0, %add3A_111, %dma_wait3A_117] : memref<2x10240x128xf32, #tpu.memory_space<hbm>> -> memref<1x128x128xf32, #tpu.memory_space<hbm>>
        %dma_wait3A_119 = tpu.memref_squeeze %dma_wait3A_118 : memref<1x128x128xf32, #tpu.memory_space<hbm>> -> memref<128x128xf32, #tpu.memory_space<hbm>>
        %dma_wait3A_120 = arith.constant 0 : i32
        %dma_wait3A_121 = tpu.memref_slice %arg10[%add3A_106, %dma_wait3A_120] : memref<10240x128xf32, #tpu.memory_space<vmem_shared>> -> memref<128x128xf32, #tpu.memory_space<vmem_shared>>
        tpu.wait_dma2 semaphore(%run_scoped3A : memref<!tpu.dma_semaphore, #tpu.memory_space<semaphore_mem>>) src(%dma_wait3A_121 : memref<128x128xf32, #tpu.memory_space<vmem_shared>>) dst(%dma_wait3A_119 : memref<128x128xf32, #tpu.memory_space<hbm>>)
        tpu.yield
      }) : () -> ()
    }
    %scan3A_100 = arith.constant 5 : i32
    return
  }
}

#map = affine_map<(d0, d1) -> (0, 0)>
module attributes {stable_mosaic.version = 14 : i64} {
  func.func @_deg_kernel(%arg0: i32, %arg1: i32, %arg2: memref<2560x128xi32, #tpu.memory_space<hbm>>, %arg3: memref<2x10240xf32, #tpu.memory_space<hbm>>, %arg4: memref<80x128xi32, #tpu.memory_space<vmem>>, %arg5: memref<128xf32, #tpu.memory_space<vmem>>, %arg6: memref<640xf32, #tpu.memory_space<vmem>>, %arg7: memref<10240xf32, #tpu.memory_space<vmem_shared>>) attributes {dimension_semantics = [#tpu.dimension_semantics<core_parallel>, #tpu.dimension_semantics<subcore_parallel>], iteration_bounds = array<i64: 2, 16>, scalar_prefetch = 0 : i64, scratch_operands = 4 : i64, tpu.core_type = #tpu.core_type<sc_vector_subcore>, window_params = [{transform_indices = #map}, {transform_indices = #map}]} {
    %mul3A = arith.constant 2 : i32
    %mul3A_0 = arith.muli %arg1, %mul3A : i32
    %add3A = arith.addi %mul3A_0, %arg0 : i32
    %scan3A = arith.constant 0 : i32
    %scan3A_1 = arith.constant 0 : i32
    %scan3A_2 = arith.constant 8 : i32
    %scan3A_3 = arith.addi %scan3A_1, %scan3A_2 : i32
    %scan3A_4 = arith.constant 1 : i32
    scf.for %scan3A_27 = %scan3A_1 to %scan3A_3 step %scan3A_4  : i32 {
      %broadcast_in_dim3A = arith.constant 1.000000e+00 : f32
      %broadcast_in_dim3A_28 = vector.broadcast %broadcast_in_dim3A : f32 to vector<16xf32>
      %mul3A_29 = arith.constant 16 : i32
      %mul3A_30 = arith.muli %scan3A_27, %mul3A_29 : i32
      %swap3A = arith.index_cast %mul3A_30 : i32 to index
      %swap3A_31 = tpu.vector_load %arg5[%swap3A] {strides = array<i32>} : memref<128xf32, #tpu.memory_space<vmem>>, vector<16xf32>,
      %swap3A_32 = vector.shape_cast %swap3A_31 : vector<16xf32> to vector<16xf32>
      %swap3A_33 = vector.shape_cast %broadcast_in_dim3A_28 : vector<16xf32> to vector<16xf32>
      tpu.vector_store %arg5[%swap3A], %swap3A_33 {strides = array<i32>} : memref<128xf32, #tpu.memory_space<vmem>>, vector<16xf32>,
    }
    %scan3A_5 = arith.constant 8 : i32
    %scan3A_6 = arith.constant 0 : i32
    %scan3A_7 = arith.constant 0 : i32
    %scan3A_8 = arith.constant 40 : i32
    %scan3A_9 = arith.addi %scan3A_7, %scan3A_8 : i32
    %scan3A_10 = arith.constant 1 : i32
    scf.for %scan3A_27 = %scan3A_7 to %scan3A_9 step %scan3A_10  : i32 {
      %broadcast_in_dim3A = arith.constant 0.000000e+00 : f32
      %broadcast_in_dim3A_28 = vector.broadcast %broadcast_in_dim3A : f32 to vector<16xf32>
      %mul3A_29 = arith.constant 16 : i32
      %mul3A_30 = arith.muli %scan3A_27, %mul3A_29 : i32
      %swap3A = arith.index_cast %mul3A_30 : i32 to index
      %swap3A_31 = tpu.vector_load %arg6[%swap3A] {strides = array<i32>} : memref<640xf32, #tpu.memory_space<vmem>>, vector<16xf32>,
      %swap3A_32 = vector.shape_cast %swap3A_31 : vector<16xf32> to vector<16xf32>
      %swap3A_33 = vector.shape_cast %broadcast_in_dim3A_28 : vector<16xf32> to vector<16xf32>
      tpu.vector_store %arg6[%swap3A], %swap3A_33 {strides = array<i32>} : memref<640xf32, #tpu.memory_space<vmem>>, vector<16xf32>,
    }
    %scan3A_11 = arith.constant 40 : i32
    %mul3A_12 = arith.constant 640 : i32
    %mul3A_13 = arith.muli %arg1, %mul3A_12 : i32
    "tpu.region"() ({
      %run_scoped3A = tpu.sem_alloc : memref<!tpu.dma_semaphore, #tpu.memory_space<semaphore_mem>>
      %dma_start3A = tpu.memref_slice %arg7[%mul3A_13] : memref<10240xf32, #tpu.memory_space<vmem_shared>> -> memref<640xf32, #tpu.memory_space<vmem_shared>>
      %dma_start3A_27 = tpu.memref_slice %arg7[%mul3A_13] : memref<10240xf32, #tpu.memory_space<vmem_shared>> -> memref<640xf32, #tpu.memory_space<vmem_shared>>
      tpu.enqueue_dma source(%arg6 : memref<640xf32, #tpu.memory_space<vmem>>) target(%dma_start3A_27 : memref<640xf32, #tpu.memory_space<vmem_shared>>) target_semaphore(%run_scoped3A : memref<!tpu.dma_semaphore, #tpu.memory_space<semaphore_mem>>)
      %dma_wait3A = tpu.memref_slice %arg7[%mul3A_13] : memref<10240xf32, #tpu.memory_space<vmem_shared>> -> memref<640xf32, #tpu.memory_space<vmem_shared>>
      %dma_wait3A_28 = tpu.memref_slice %arg7[%mul3A_13] : memref<10240xf32, #tpu.memory_space<vmem_shared>> -> memref<640xf32, #tpu.memory_space<vmem_shared>>
      tpu.wait_dma2 semaphore(%run_scoped3A : memref<!tpu.dma_semaphore, #tpu.memory_space<semaphore_mem>>) src(%arg6 : memref<640xf32, #tpu.memory_space<vmem>>) dst(%dma_wait3A_28 : memref<640xf32, #tpu.memory_space<vmem_shared>>)
      tpu.yield
    }) : () -> ()
    %mul3A_14 = arith.constant 80 : i32
    %mul3A_15 = arith.muli %add3A, %mul3A_14 : i32
    "tpu.region"() ({
      %run_scoped3A = tpu.sem_alloc : memref<!tpu.dma_semaphore, #tpu.memory_space<semaphore_mem>>
      %dma_start3A = arith.constant 0 : i32
      %dma_start3A_27 = tpu.memref_slice %arg2[%mul3A_15, %dma_start3A] : memref<2560x128xi32, #tpu.memory_space<hbm>> -> memref<80x128xi32, #tpu.memory_space<hbm>>
      %dma_start3A_28 = arith.constant 0 : i32
      %dma_start3A_29 = tpu.memref_slice %arg2[%mul3A_15, %dma_start3A_28] : memref<2560x128xi32, #tpu.memory_space<hbm>> -> memref<80x128xi32, #tpu.memory_space<hbm>>
      tpu.enqueue_dma source(%dma_start3A_29 : memref<80x128xi32, #tpu.memory_space<hbm>>) target(%arg4 : memref<80x128xi32, #tpu.memory_space<vmem>>) target_semaphore(%run_scoped3A : memref<!tpu.dma_semaphore, #tpu.memory_space<semaphore_mem>>)
      %dma_wait3A = arith.constant 0 : i32
      %dma_wait3A_30 = tpu.memref_slice %arg2[%mul3A_15, %dma_wait3A] : memref<2560x128xi32, #tpu.memory_space<hbm>> -> memref<80x128xi32, #tpu.memory_space<hbm>>
      %dma_wait3A_31 = arith.constant 0 : i32
      %dma_wait3A_32 = tpu.memref_slice %arg2[%mul3A_15, %dma_wait3A_31] : memref<2560x128xi32, #tpu.memory_space<hbm>> -> memref<80x128xi32, #tpu.memory_space<hbm>>
      tpu.wait_dma2 semaphore(%run_scoped3A : memref<!tpu.dma_semaphore, #tpu.memory_space<semaphore_mem>>) src(%dma_wait3A_32 : memref<80x128xi32, #tpu.memory_space<hbm>>) dst(%arg4 : memref<80x128xi32, #tpu.memory_space<vmem>>)
      tpu.yield
    }) : () -> ()
    %barrier3A = arith.constant 0 : index
    tpu.barrier barrier_id(%barrier3A)
    %scan3A_16 = arith.constant 0 : i32
    %scan3A_17 = arith.constant 0 : i32
    %scan3A_18 = arith.constant 80 : i32
    %scan3A_19 = arith.addi %scan3A_17, %scan3A_18 : i32
    %scan3A_20 = arith.constant 1 : i32
    scf.for %scan3A_27 = %scan3A_17 to %scan3A_19 step %scan3A_20  : i32 {
      "tpu.region"() ({
        %run_scoped3A = tpu.sem_alloc : memref<!tpu.dma_semaphore, #tpu.memory_space<semaphore_mem>>
        %dma_start3A = arith.constant 0 : i32
        %dma_start3A_28 = tpu.memref_slice %arg4[%scan3A_27, %dma_start3A] : memref<80x128xi32, #tpu.memory_space<vmem>> -> memref<1x128xi32, #tpu.memory_space<vmem>>
        %dma_start3A_29 = tpu.memref_squeeze %dma_start3A_28 : memref<1x128xi32, #tpu.memory_space<vmem>> -> memref<128xi32, #tpu.memory_space<vmem>>
        %dma_start3A_30 = arith.constant 0 : i32
        %dma_start3A_31 = tpu.memref_slice %arg7[%dma_start3A_30] : memref<10240xf32, #tpu.memory_space<vmem_shared>> -> memref<10240xf32, #tpu.memory_space<vmem_shared>>
        tpu.enqueue_indirect_dma source(%arg5 : memref<128xf32, #tpu.memory_space<vmem>>) target(%dma_start3A_31 : memref<10240xf32, #tpu.memory_space<vmem_shared>>) offsets(%dma_start3A_29 : memref<128xi32, #tpu.memory_space<vmem>>) semaphore(%run_scoped3A : memref<!tpu.dma_semaphore, #tpu.memory_space<semaphore_mem>>) {add = true}
        %dma_wait3A = arith.constant 0 : i32
        %dma_wait3A_32 = tpu.memref_slice %arg4[%scan3A_27, %dma_wait3A] : memref<80x128xi32, #tpu.memory_space<vmem>> -> memref<1x128xi32, #tpu.memory_space<vmem>>
        %dma_wait3A_33 = tpu.memref_squeeze %dma_wait3A_32 : memref<1x128xi32, #tpu.memory_space<vmem>> -> memref<128xi32, #tpu.memory_space<vmem>>
        %dma_wait3A_34 = arith.constant 0 : i32
        %dma_wait3A_35 = tpu.memref_slice %arg7[%dma_wait3A_34] : memref<10240xf32, #tpu.memory_space<vmem_shared>> -> memref<10240xf32, #tpu.memory_space<vmem_shared>>
        tpu.wait_indirect_dma semaphore(%run_scoped3A : memref<!tpu.dma_semaphore, #tpu.memory_space<semaphore_mem>>) src(%arg5 : memref<128xf32, #tpu.memory_space<vmem>>) dst(%dma_wait3A_35 : memref<10240xf32, #tpu.memory_space<vmem_shared>>)
        tpu.yield
      }) : () -> ()
    }
    %scan3A_21 = arith.constant 80 : i32
    %barrier3A_22 = arith.constant 0 : index
    tpu.barrier barrier_id(%barrier3A_22)
    %mul3A_23 = arith.constant 640 : i32
    %mul3A_24 = arith.muli %arg1, %mul3A_23 : i32
    %mul3A_25 = arith.constant 640 : i32
    %mul3A_26 = arith.muli %arg1, %mul3A_25 : i32
    "tpu.region"() ({
      %run_scoped3A = tpu.sem_alloc : memref<!tpu.dma_semaphore, #tpu.memory_space<semaphore_mem>>
      %dma_start3A = tpu.memref_slice %arg3[%arg0, %mul3A_26] : memref<2x10240xf32, #tpu.memory_space<hbm>> -> memref<1x640xf32, #tpu.memory_space<hbm>>
      %dma_start3A_27 = tpu.memref_squeeze %dma_start3A : memref<1x640xf32, #tpu.memory_space<hbm>> -> memref<640xf32, #tpu.memory_space<hbm>>
      %dma_start3A_28 = tpu.memref_slice %arg7[%mul3A_24] : memref<10240xf32, #tpu.memory_space<vmem_shared>> -> memref<640xf32, #tpu.memory_space<vmem_shared>>
      tpu.enqueue_dma source(%dma_start3A_28 : memref<640xf32, #tpu.memory_space<vmem_shared>>) target(%dma_start3A_27 : memref<640xf32, #tpu.memory_space<hbm>>) target_semaphore(%run_scoped3A : memref<!tpu.dma_semaphore, #tpu.memory_space<semaphore_mem>>)
      %dma_wait3A = tpu.memref_slice %arg3[%arg0, %mul3A_26] : memref<2x10240xf32, #tpu.memory_space<hbm>> -> memref<1x640xf32, #tpu.memory_space<hbm>>
      %dma_wait3A_29 = tpu.memref_squeeze %dma_wait3A : memref<1x640xf32, #tpu.memory_space<hbm>> -> memref<640xf32, #tpu.memory_space<hbm>>
      %dma_wait3A_30 = tpu.memref_slice %arg7[%mul3A_24] : memref<10240xf32, #tpu.memory_space<vmem_shared>> -> memref<640xf32, #tpu.memory_space<vmem_shared>>
      tpu.wait_dma2 semaphore(%run_scoped3A : memref<!tpu.dma_semaphore, #tpu.memory_space<semaphore_mem>>) src(%dma_wait3A_30 : memref<640xf32, #tpu.memory_space<vmem_shared>>) dst(%dma_wait3A_29 : memref<640xf32, #tpu.memory_space<hbm>>)
      tpu.yield
    }) : () -> ()
    return
  }
}

#map = affine_map<(d0, d1) -> (0, 0)>
#map1 = affine_map<(d0, d1) -> (0, 0, 0)>
module attributes {stable_mosaic.version = 14 : i64} {
  func.func @_scatter_kernel(%arg0: i32, %arg1: i32, %arg2: memref<10240x128xf32, #tpu.memory_space<hbm>>, %arg3: memref<2560x128xi32, #tpu.memory_space<hbm>>, %arg4: memref<2560x128xi32, #tpu.memory_space<hbm>>, %arg5: memref<2x10240x128xf32, #tpu.memory_space<hbm>>, %arg6: memref<40x128xi32, #tpu.memory_space<vmem>>, %arg7: memref<40x128xi32, #tpu.memory_space<vmem>>, %arg8: memref<128x128xf32, #tpu.memory_space<vmem>>, %arg9: memref<128x128xf32, #tpu.memory_space<vmem>>, %arg10: memref<10240x128xf32, #tpu.memory_space<vmem_shared>>, %arg11: memref<!tpu.dma_semaphore, #tpu.memory_space<semaphore_mem>>, %arg12: memref<!tpu.dma_semaphore, #tpu.memory_space<semaphore_mem>>, %arg13: memref<!tpu.dma_semaphore, #tpu.memory_space<semaphore_mem>>, %arg14: memref<!tpu.dma_semaphore, #tpu.memory_space<semaphore_mem>>) attributes {dimension_semantics = [#tpu.dimension_semantics<core_parallel>, #tpu.dimension_semantics<subcore_parallel>], iteration_bounds = array<i64: 2, 16>, scalar_prefetch = 0 : i64, scratch_operands = 9 : i64, tpu.core_type = #tpu.core_type<sc_vector_subcore>, window_params = [{transform_indices = #map}, {transform_indices = #map}, {transform_indices = #map}, {transform_indices = #map1}]} {
    %mul3A = arith.constant 2 : i32
    %mul3A_0 = arith.muli %arg1, %mul3A : i32
    %add3A = arith.addi %mul3A_0, %arg0 : i32
    %scan3A = arith.constant 0 : i32
    %scan3A_1 = arith.constant 0 : i32
    %scan3A_2 = arith.constant 1024 : i32
    %scan3A_3 = arith.addi %scan3A_1, %scan3A_2 : i32
    %scan3A_4 = arith.constant 1 : i32
    scf.for %scan3A_101 = %scan3A_1 to %scan3A_3 step %scan3A_4  : i32 {
      %broadcast_in_dim3A = arith.constant 0.000000e+00 : f32
      %broadcast_in_dim3A_102 = vector.broadcast %broadcast_in_dim3A : f32 to vector<16xf32>
      %jit3A = arith.constant 8 : i32
      %div3A = arith.divsi %scan3A_101, %jit3A : i32
      %sign3A = arith.constant 0 : i32
      %sign3A_103 = arith.cmpi sgt, %scan3A_101, %sign3A : i32
      %sign3A_104 = arith.extui %sign3A_103 : i1 to i32
      %sign3A_105 = arith.constant 0 : i32
      %sign3A_106 = arith.cmpi slt, %scan3A_101, %sign3A_105 : i32
      %sign3A_107 = arith.extui %sign3A_106 : i1 to i32
      %sign3A_108 = arith.subi %sign3A_104, %sign3A_107 : i32
      %sign3A_109 = arith.constant 0 : i32
      %sign3A_110 = arith.cmpi sgt, %jit3A, %sign3A_109 : i32
      %sign3A_111 = arith.extui %sign3A_110 : i1 to i32
      %sign3A_112 = arith.constant 0 : i32
      %sign3A_113 = arith.cmpi slt, %jit3A, %sign3A_112 : i32
      %sign3A_114 = arith.extui %sign3A_113 : i1 to i32
      %sign3A_115 = arith.subi %sign3A_111, %sign3A_114 : i32
      %ne3A = arith.cmpi ne, %sign3A_108, %sign3A_115 : i32
      %rem3A = arith.remsi %scan3A_101, %jit3A : i32
      %ne3A_116 = arith.constant 0 : i32
      %ne3A_117 = arith.cmpi ne, %rem3A, %ne3A_116 : i32
      %and3A = arith.andi %ne3A, %ne3A_117 : i1
      %sub3A = arith.constant 1 : i32
      %sub3A_118 = arith.subi %div3A, %sub3A : i32
      %select_n3A = arith.select %and3A, %sub3A_118, %div3A : i32
      %jit3A_119 = arith.constant 8 : i32
      %eq3A = arith.constant 0 : i32
      %eq3A_120 = arith.cmpi eq, %jit3A_119, %eq3A : i32
      %jit3A_121 = arith.constant 1 : i32
      %select_n3A_122 = arith.select %eq3A_120, %jit3A_121, %jit3A_119 : i32
      %rem3A_123 = arith.remsi %scan3A_101, %select_n3A_122 : i32
      %ne3A_124 = arith.constant 0 : i32
      %ne3A_125 = arith.cmpi ne, %rem3A_123, %ne3A_124 : i32
      %lt3A = arith.constant 0 : i32
      %lt3A_126 = arith.cmpi slt, %rem3A_123, %lt3A : i32
      %lt3A_127 = arith.constant 0 : i32
      %lt3A_128 = arith.cmpi slt, %select_n3A_122, %lt3A_127 : i32
      %ne3A_129 = arith.xori %lt3A_126, %lt3A_128 : i1
      %and3A_130 = arith.andi %ne3A_129, %ne3A_125 : i1
      %add3A_131 = arith.addi %rem3A_123, %select_n3A_122 : i32
      %select_n3A_132 = arith.select %and3A_130, %add3A_131, %rem3A_123 : i32
      %mul3A_133 = arith.constant 16 : i32
      %mul3A_134 = arith.muli %select_n3A_132, %mul3A_133 : i32
      %swap3A = arith.index_cast %select_n3A : i32 to index
      %swap3A_135 = arith.index_cast %mul3A_134 : i32 to index
      %swap3A_136 = tpu.vector_load %arg8[%swap3A, %swap3A_135] {strides = array<i32>} : memref<128x128xf32, #tpu.memory_space<vmem>>, vector<1x16xf32>,
      %swap3A_137 = vector.shape_cast %swap3A_136 : vector<1x16xf32> to vector<16xf32>
      %swap3A_138 = vector.shape_cast %broadcast_in_dim3A_102 : vector<16xf32> to vector<1x16xf32>
      tpu.vector_store %arg8[%swap3A, %swap3A_135], %swap3A_138 {strides = array<i32>} : memref<128x128xf32, #tpu.memory_space<vmem>>, vector<1x16xf32>,
    }
    %scan3A_5 = arith.constant 1024 : i32
    %scan3A_6 = arith.constant 0 : i32
    %scan3A_7 = arith.constant 0 : i32
    %scan3A_8 = arith.constant 5 : i32
    %scan3A_9 = arith.addi %scan3A_7, %scan3A_8 : i32
    %scan3A_10 = arith.constant 1 : i32
    scf.for %scan3A_101 = %scan3A_7 to %scan3A_9 step %scan3A_10  : i32 {
      %mul3A_102 = arith.constant 640 : i32
      %mul3A_103 = arith.muli %arg1, %mul3A_102 : i32
      %mul3A_104 = arith.constant 128 : i32
      %mul3A_105 = arith.muli %scan3A_101, %mul3A_104 : i32
      %add3A_106 = arith.addi %mul3A_103, %mul3A_105 : i32
      "tpu.region"() ({
        %run_scoped3A = tpu.sem_alloc : memref<!tpu.dma_semaphore, #tpu.memory_space<semaphore_mem>>
        %dma_start3A_107 = arith.constant 0 : i32
        %dma_start3A_108 = tpu.memref_slice %arg10[%add3A_106, %dma_start3A_107] : memref<10240x128xf32, #tpu.memory_space<vmem_shared>> -> memref<128x128xf32, #tpu.memory_space<vmem_shared>>
        %dma_start3A_109 = arith.constant 0 : i32
        %dma_start3A_110 = tpu.memref_slice %arg10[%add3A_106, %dma_start3A_109] : memref<10240x128xf32, #tpu.memory_space<vmem_shared>> -> memref<128x128xf32, #tpu.memory_space<vmem_shared>>
        tpu.enqueue_dma source(%arg8 : memref<128x128xf32, #tpu.memory_space<vmem>>) target(%dma_start3A_110 : memref<128x128xf32, #tpu.memory_space<vmem_shared>>) target_semaphore(%run_scoped3A : memref<!tpu.dma_semaphore, #tpu.memory_space<semaphore_mem>>)
        %dma_wait3A_111 = arith.constant 0 : i32
        %dma_wait3A_112 = tpu.memref_slice %arg10[%add3A_106, %dma_wait3A_111] : memref<10240x128xf32, #tpu.memory_space<vmem_shared>> -> memref<128x128xf32, #tpu.memory_space<vmem_shared>>
        %dma_wait3A_113 = arith.constant 0 : i32
        %dma_wait3A_114 = tpu.memref_slice %arg10[%add3A_106, %dma_wait3A_113] : memref<10240x128xf32, #tpu.memory_space<vmem_shared>> -> memref<128x128xf32, #tpu.memory_space<vmem_shared>>
        tpu.wait_dma2 semaphore(%run_scoped3A : memref<!tpu.dma_semaphore, #tpu.memory_space<semaphore_mem>>) src(%arg8 : memref<128x128xf32, #tpu.memory_space<vmem>>) dst(%dma_wait3A_114 : memref<128x128xf32, #tpu.memory_space<vmem_shared>>)
        tpu.yield
      }) : () -> ()
    }
    %scan3A_11 = arith.constant 5 : i32
    %barrier3A = arith.constant 0 : index
    tpu.barrier barrier_id(%barrier3A)
    %mul3A_12 = arith.constant 80 : i32
    %mul3A_13 = arith.muli %add3A, %mul3A_12 : i32
    %add3A_14 = arith.constant 0 : i32
    %add3A_15 = arith.addi %mul3A_13, %add3A_14 : i32
    "tpu.region"() ({
      %run_scoped3A = tpu.sem_alloc : memref<!tpu.dma_semaphore, #tpu.memory_space<semaphore_mem>>
      %dma_start3A_101 = arith.constant 0 : i32
      %dma_start3A_102 = tpu.memref_slice %arg3[%add3A_15, %dma_start3A_101] : memref<2560x128xi32, #tpu.memory_space<hbm>> -> memref<40x128xi32, #tpu.memory_space<hbm>>
      %dma_start3A_103 = arith.constant 0 : i32
      %dma_start3A_104 = tpu.memref_slice %arg3[%add3A_15, %dma_start3A_103] : memref<2560x128xi32, #tpu.memory_space<hbm>> -> memref<40x128xi32, #tpu.memory_space<hbm>>
      tpu.enqueue_dma source(%dma_start3A_104 : memref<40x128xi32, #tpu.memory_space<hbm>>) target(%arg6 : memref<40x128xi32, #tpu.memory_space<vmem>>) target_semaphore(%run_scoped3A : memref<!tpu.dma_semaphore, #tpu.memory_space<semaphore_mem>>)
      %dma_wait3A_105 = arith.constant 0 : i32
      %dma_wait3A_106 = tpu.memref_slice %arg3[%add3A_15, %dma_wait3A_105] : memref<2560x128xi32, #tpu.memory_space<hbm>> -> memref<40x128xi32, #tpu.memory_space<hbm>>
      %dma_wait3A_107 = arith.constant 0 : i32
      %dma_wait3A_108 = tpu.memref_slice %arg3[%add3A_15, %dma_wait3A_107] : memref<2560x128xi32, #tpu.memory_space<hbm>> -> memref<40x128xi32, #tpu.memory_space<hbm>>
      tpu.wait_dma2 semaphore(%run_scoped3A : memref<!tpu.dma_semaphore, #tpu.memory_space<semaphore_mem>>) src(%dma_wait3A_108 : memref<40x128xi32, #tpu.memory_space<hbm>>) dst(%arg6 : memref<40x128xi32, #tpu.memory_space<vmem>>)
      tpu.yield
    }) : () -> ()
    %mul3A_16 = arith.constant 80 : i32
    %mul3A_17 = arith.muli %add3A, %mul3A_16 : i32
    %add3A_18 = arith.constant 0 : i32
    %add3A_19 = arith.addi %mul3A_17, %add3A_18 : i32
    "tpu.region"() ({
      %run_scoped3A = tpu.sem_alloc : memref<!tpu.dma_semaphore, #tpu.memory_space<semaphore_mem>>
      %dma_start3A_101 = arith.constant 0 : i32
      %dma_start3A_102 = tpu.memref_slice %arg4[%add3A_19, %dma_start3A_101] : memref<2560x128xi32, #tpu.memory_space<hbm>> -> memref<40x128xi32, #tpu.memory_space<hbm>>
      %dma_start3A_103 = arith.constant 0 : i32
      %dma_start3A_104 = tpu.memref_slice %arg4[%add3A_19, %dma_start3A_103] : memref<2560x128xi32, #tpu.memory_space<hbm>> -> memref<40x128xi32, #tpu.memory_space<hbm>>
      tpu.enqueue_dma source(%dma_start3A_104 : memref<40x128xi32, #tpu.memory_space<hbm>>) target(%arg7 : memref<40x128xi32, #tpu.memory_space<vmem>>) target_semaphore(%run_scoped3A : memref<!tpu.dma_semaphore, #tpu.memory_space<semaphore_mem>>)
      %dma_wait3A_105 = arith.constant 0 : i32
      %dma_wait3A_106 = tpu.memref_slice %arg4[%add3A_19, %dma_wait3A_105] : memref<2560x128xi32, #tpu.memory_space<hbm>> -> memref<40x128xi32, #tpu.memory_space<hbm>>
      %dma_wait3A_107 = arith.constant 0 : i32
      %dma_wait3A_108 = tpu.memref_slice %arg4[%add3A_19, %dma_wait3A_107] : memref<2560x128xi32, #tpu.memory_space<hbm>> -> memref<40x128xi32, #tpu.memory_space<hbm>>
      tpu.wait_dma2 semaphore(%run_scoped3A : memref<!tpu.dma_semaphore, #tpu.memory_space<semaphore_mem>>) src(%dma_wait3A_108 : memref<40x128xi32, #tpu.memory_space<hbm>>) dst(%arg7 : memref<40x128xi32, #tpu.memory_space<vmem>>)
      tpu.yield
    }) : () -> ()
    %dma_start3A = arith.constant 0 : i32
    %dma_start3A_20 = arith.constant 0 : i32
    %dma_start3A_21 = tpu.memref_slice %arg6[%dma_start3A, %dma_start3A_20] : memref<40x128xi32, #tpu.memory_space<vmem>> -> memref<1x128xi32, #tpu.memory_space<vmem>>
    %dma_start3A_22 = tpu.memref_squeeze %dma_start3A_21 : memref<1x128xi32, #tpu.memory_space<vmem>> -> memref<128xi32, #tpu.memory_space<vmem>>
    %dma_start3A_23 = arith.constant 0 : i32
    %dma_start3A_24 = arith.constant 0 : i32
    %dma_start3A_25 = tpu.memref_slice %arg2[%dma_start3A_23, %dma_start3A_24] : memref<10240x128xf32, #tpu.memory_space<hbm>> -> memref<10240x128xf32, #tpu.memory_space<hbm>>
    tpu.enqueue_indirect_dma source(%dma_start3A_25 : memref<10240x128xf32, #tpu.memory_space<hbm>>) target(%arg8 : memref<128x128xf32, #tpu.memory_space<vmem>>) offsets(%dma_start3A_22 : memref<128xi32, #tpu.memory_space<vmem>>) semaphore(%arg11 : memref<!tpu.dma_semaphore, #tpu.memory_space<semaphore_mem>>)
    %dma_start3A_26 = arith.constant 1 : i32
    %dma_start3A_27 = arith.constant 0 : i32
    %dma_start3A_28 = tpu.memref_slice %arg6[%dma_start3A_26, %dma_start3A_27] : memref<40x128xi32, #tpu.memory_space<vmem>> -> memref<1x128xi32, #tpu.memory_space<vmem>>
    %dma_start3A_29 = tpu.memref_squeeze %dma_start3A_28 : memref<1x128xi32, #tpu.memory_space<vmem>> -> memref<128xi32, #tpu.memory_space<vmem>>
    %dma_start3A_30 = arith.constant 0 : i32
    %dma_start3A_31 = arith.constant 0 : i32
    %dma_start3A_32 = tpu.memref_slice %arg2[%dma_start3A_30, %dma_start3A_31] : memref<10240x128xf32, #tpu.memory_space<hbm>> -> memref<10240x128xf32, #tpu.memory_space<hbm>>
    tpu.enqueue_indirect_dma source(%dma_start3A_32 : memref<10240x128xf32, #tpu.memory_space<hbm>>) target(%arg9 : memref<128x128xf32, #tpu.memory_space<vmem>>) offsets(%dma_start3A_29 : memref<128xi32, #tpu.memory_space<vmem>>) semaphore(%arg12 : memref<!tpu.dma_semaphore, #tpu.memory_space<semaphore_mem>>)
    %scan3A_33 = arith.constant 0 : i32
    %scan3A_34 = arith.constant 0 : i32
    %scan3A_35 = arith.constant 20 : i32
    %scan3A_36 = arith.addi %scan3A_34, %scan3A_35 : i32
    %scan3A_37 = arith.constant 1 : i32
    scf.for %scan3A_101 = %scan3A_34 to %scan3A_36 step %scan3A_37  : i32 {
      %mul3A_102 = arith.constant 2 : i32
      %mul3A_103 = arith.muli %mul3A_102, %scan3A_101 : i32
      %dma_wait3A_104 = arith.constant 0 : i32
      %dma_wait3A_105 = tpu.memref_slice %arg6[%mul3A_103, %dma_wait3A_104] : memref<40x128xi32, #tpu.memory_space<vmem>> -> memref<1x128xi32, #tpu.memory_space<vmem>>
      %dma_wait3A_106 = tpu.memref_squeeze %dma_wait3A_105 : memref<1x128xi32, #tpu.memory_space<vmem>> -> memref<128xi32, #tpu.memory_space<vmem>>
      %dma_wait3A_107 = arith.constant 0 : i32
      %dma_wait3A_108 = arith.constant 0 : i32
      %dma_wait3A_109 = tpu.memref_slice %arg2[%dma_wait3A_107, %dma_wait3A_108] : memref<10240x128xf32, #tpu.memory_space<hbm>> -> memref<10240x128xf32, #tpu.memory_space<hbm>>
      tpu.wait_indirect_dma semaphore(%arg11 : memref<!tpu.dma_semaphore, #tpu.memory_space<semaphore_mem>>) src(%dma_wait3A_109 : memref<10240x128xf32, #tpu.memory_space<hbm>>) dst(%arg8 : memref<128x128xf32, #tpu.memory_space<vmem>>)
      %dma_start3A_110 = arith.constant 0 : i32
      %dma_start3A_111 = tpu.memref_slice %arg7[%mul3A_103, %dma_start3A_110] : memref<40x128xi32, #tpu.memory_space<vmem>> -> memref<1x128xi32, #tpu.memory_space<vmem>>
      %dma_start3A_112 = tpu.memref_squeeze %dma_start3A_111 : memref<1x128xi32, #tpu.memory_space<vmem>> -> memref<128xi32, #tpu.memory_space<vmem>>
      %dma_start3A_113 = arith.constant 0 : i32
      %dma_start3A_114 = arith.constant 0 : i32
      %dma_start3A_115 = tpu.memref_slice %arg10[%dma_start3A_113, %dma_start3A_114] : memref<10240x128xf32, #tpu.memory_space<vmem_shared>> -> memref<10240x128xf32, #tpu.memory_space<vmem_shared>>
      tpu.enqueue_indirect_dma source(%arg8 : memref<128x128xf32, #tpu.memory_space<vmem>>) target(%dma_start3A_115 : memref<10240x128xf32, #tpu.memory_space<vmem_shared>>) offsets(%dma_start3A_112 : memref<128xi32, #tpu.memory_space<vmem>>) semaphore(%arg13 : memref<!tpu.dma_semaphore, #tpu.memory_space<semaphore_mem>>) {add = true}
      %add3A_116 = arith.constant 1 : i32
      %add3A_117 = arith.addi %mul3A_103, %add3A_116 : i32
      %dma_wait3A_118 = arith.constant 0 : i32
      %dma_wait3A_119 = tpu.memref_slice %arg6[%add3A_117, %dma_wait3A_118] : memref<40x128xi32, #tpu.memory_space<vmem>> -> memref<1x128xi32, #tpu.memory_space<vmem>>
      %dma_wait3A_120 = tpu.memref_squeeze %dma_wait3A_119 : memref<1x128xi32, #tpu.memory_space<vmem>> -> memref<128xi32, #tpu.memory_space<vmem>>
      %dma_wait3A_121 = arith.constant 0 : i32
      %dma_wait3A_122 = arith.constant 0 : i32
      %dma_wait3A_123 = tpu.memref_slice %arg2[%dma_wait3A_121, %dma_wait3A_122] : memref<10240x128xf32, #tpu.memory_space<hbm>> -> memref<10240x128xf32, #tpu.memory_space<hbm>>
      tpu.wait_indirect_dma semaphore(%arg12 : memref<!tpu.dma_semaphore, #tpu.memory_space<semaphore_mem>>) src(%dma_wait3A_123 : memref<10240x128xf32, #tpu.memory_space<hbm>>) dst(%arg9 : memref<128x128xf32, #tpu.memory_space<vmem>>)
      %add3A_124 = arith.constant 1 : i32
      %add3A_125 = arith.addi %mul3A_103, %add3A_124 : i32
      %dma_start3A_126 = arith.constant 0 : i32
      %dma_start3A_127 = tpu.memref_slice %arg7[%add3A_125, %dma_start3A_126] : memref<40x128xi32, #tpu.memory_space<vmem>> -> memref<1x128xi32, #tpu.memory_space<vmem>>
      %dma_start3A_128 = tpu.memref_squeeze %dma_start3A_127 : memref<1x128xi32, #tpu.memory_space<vmem>> -> memref<128xi32, #tpu.memory_space<vmem>>
      %dma_start3A_129 = arith.constant 0 : i32
      %dma_start3A_130 = arith.constant 0 : i32
      %dma_start3A_131 = tpu.memref_slice %arg10[%dma_start3A_129, %dma_start3A_130] : memref<10240x128xf32, #tpu.memory_space<vmem_shared>> -> memref<10240x128xf32, #tpu.memory_space<vmem_shared>>
      tpu.enqueue_indirect_dma source(%arg9 : memref<128x128xf32, #tpu.memory_space<vmem>>) target(%dma_start3A_131 : memref<10240x128xf32, #tpu.memory_space<vmem_shared>>) offsets(%dma_start3A_128 : memref<128xi32, #tpu.memory_space<vmem>>) semaphore(%arg14 : memref<!tpu.dma_semaphore, #tpu.memory_space<semaphore_mem>>) {add = true}
      %lt3A = arith.constant 19 : i32
      %lt3A_132 = arith.cmpi slt, %scan3A_101, %lt3A : i32
      %convert_element_type3A = arith.extui %lt3A_132 : i1 to i32
      %cond3A = arith.constant 0 : i32
      %cond3A_133 = arith.cmpi ne, %convert_element_type3A, %cond3A : i32
      scf.if %cond3A_133 {
        %dma_wait3A_134 = arith.constant 0 : i32
        %dma_wait3A_135 = tpu.memref_slice %arg7[%mul3A_103, %dma_wait3A_134] : memref<40x128xi32, #tpu.memory_space<vmem>> -> memref<1x128xi32, #tpu.memory_space<vmem>>
        %dma_wait3A_136 = tpu.memref_squeeze %dma_wait3A_135 : memref<1x128xi32, #tpu.memory_space<vmem>> -> memref<128xi32, #tpu.memory_space<vmem>>
        %dma_wait3A_137 = arith.constant 0 : i32
        %dma_wait3A_138 = arith.constant 0 : i32
        %dma_wait3A_139 = tpu.memref_slice %arg10[%dma_wait3A_137, %dma_wait3A_138] : memref<10240x128xf32, #tpu.memory_space<vmem_shared>> -> memref<10240x128xf32, #tpu.memory_space<vmem_shared>>
        tpu.wait_indirect_dma semaphore(%arg13 : memref<!tpu.dma_semaphore, #tpu.memory_space<semaphore_mem>>) src(%arg8 : memref<128x128xf32, #tpu.memory_space<vmem>>) dst(%dma_wait3A_139 : memref<10240x128xf32, #tpu.memory_space<vmem_shared>>)
        %add3A_140 = arith.constant 2 : i32
        %add3A_141 = arith.addi %mul3A_103, %add3A_140 : i32
        %dma_start3A_142 = arith.constant 0 : i32
        %dma_start3A_143 = tpu.memref_slice %arg6[%add3A_141, %dma_start3A_142] : memref<40x128xi32, #tpu.memory_space<vmem>> -> memref<1x128xi32, #tpu.memory_space<vmem>>
        %dma_start3A_144 = tpu.memref_squeeze %dma_start3A_143 : memref<1x128xi32, #tpu.memory_space<vmem>> -> memref<128xi32, #tpu.memory_space<vmem>>
        %dma_start3A_145 = arith.constant 0 : i32
        %dma_start3A_146 = arith.constant 0 : i32
        %dma_start3A_147 = tpu.memref_slice %arg2[%dma_start3A_145, %dma_start3A_146] : memref<10240x128xf32, #tpu.memory_space<hbm>> -> memref<10240x128xf32, #tpu.memory_space<hbm>>
        tpu.enqueue_indirect_dma source(%dma_start3A_147 : memref<10240x128xf32, #tpu.memory_space<hbm>>) target(%arg8 : memref<128x128xf32, #tpu.memory_space<vmem>>) offsets(%dma_start3A_144 : memref<128xi32, #tpu.memory_space<vmem>>) semaphore(%arg11 : memref<!tpu.dma_semaphore, #tpu.memory_space<semaphore_mem>>)
        %add3A_148 = arith.constant 1 : i32
        %add3A_149 = arith.addi %mul3A_103, %add3A_148 : i32
        %dma_wait3A_150 = arith.constant 0 : i32
        %dma_wait3A_151 = tpu.memref_slice %arg7[%add3A_149, %dma_wait3A_150] : memref<40x128xi32, #tpu.memory_space<vmem>> -> memref<1x128xi32, #tpu.memory_space<vmem>>
        %dma_wait3A_152 = tpu.memref_squeeze %dma_wait3A_151 : memref<1x128xi32, #tpu.memory_space<vmem>> -> memref<128xi32, #tpu.memory_space<vmem>>
        %dma_wait3A_153 = arith.constant 0 : i32
        %dma_wait3A_154 = arith.constant 0 : i32
        %dma_wait3A_155 = tpu.memref_slice %arg10[%dma_wait3A_153, %dma_wait3A_154] : memref<10240x128xf32, #tpu.memory_space<vmem_shared>> -> memref<10240x128xf32, #tpu.memory_space<vmem_shared>>
        tpu.wait_indirect_dma semaphore(%arg14 : memref<!tpu.dma_semaphore, #tpu.memory_space<semaphore_mem>>) src(%arg9 : memref<128x128xf32, #tpu.memory_space<vmem>>) dst(%dma_wait3A_155 : memref<10240x128xf32, #tpu.memory_space<vmem_shared>>)
        %add3A_156 = arith.constant 3 : i32
        %add3A_157 = arith.addi %mul3A_103, %add3A_156 : i32
        %dma_start3A_158 = arith.constant 0 : i32
        %dma_start3A_159 = tpu.memref_slice %arg6[%add3A_157, %dma_start3A_158] : memref<40x128xi32, #tpu.memory_space<vmem>> -> memref<1x128xi32, #tpu.memory_space<vmem>>
        %dma_start3A_160 = tpu.memref_squeeze %dma_start3A_159 : memref<1x128xi32, #tpu.memory_space<vmem>> -> memref<128xi32, #tpu.memory_space<vmem>>
        %dma_start3A_161 = arith.constant 0 : i32
        %dma_start3A_162 = arith.constant 0 : i32
        %dma_start3A_163 = tpu.memref_slice %arg2[%dma_start3A_161, %dma_start3A_162] : memref<10240x128xf32, #tpu.memory_space<hbm>> -> memref<10240x128xf32, #tpu.memory_space<hbm>>
        tpu.enqueue_indirect_dma source(%dma_start3A_163 : memref<10240x128xf32, #tpu.memory_space<hbm>>) target(%arg9 : memref<128x128xf32, #tpu.memory_space<vmem>>) offsets(%dma_start3A_160 : memref<128xi32, #tpu.memory_space<vmem>>) semaphore(%arg12 : memref<!tpu.dma_semaphore, #tpu.memory_space<semaphore_mem>>)
      } else {
      }
    }
    %scan3A_38 = arith.constant 20 : i32
    %dma_wait3A = arith.constant 38 : i32
    %dma_wait3A_39 = arith.constant 0 : i32
    %dma_wait3A_40 = tpu.memref_slice %arg7[%dma_wait3A, %dma_wait3A_39] : memref<40x128xi32, #tpu.memory_space<vmem>> -> memref<1x128xi32, #tpu.memory_space<vmem>>
    %dma_wait3A_41 = tpu.memref_squeeze %dma_wait3A_40 : memref<1x128xi32, #tpu.memory_space<vmem>> -> memref<128xi32, #tpu.memory_space<vmem>>
    %dma_wait3A_42 = arith.constant 0 : i32
    %dma_wait3A_43 = arith.constant 0 : i32
    %dma_wait3A_44 = tpu.memref_slice %arg10[%dma_wait3A_42, %dma_wait3A_43] : memref<10240x128xf32, #tpu.memory_space<vmem_shared>> -> memref<10240x128xf32, #tpu.memory_space<vmem_shared>>
    tpu.wait_indirect_dma semaphore(%arg13 : memref<!tpu.dma_semaphore, #tpu.memory_space<semaphore_mem>>) src(%arg8 : memref<128x128xf32, #tpu.memory_space<vmem>>) dst(%dma_wait3A_44 : memref<10240x128xf32, #tpu.memory_space<vmem_shared>>)
    %dma_wait3A_45 = arith.constant 39 : i32
    %dma_wait3A_46 = arith.constant 0 : i32
    %dma_wait3A_47 = tpu.memref_slice %arg7[%dma_wait3A_45, %dma_wait3A_46] : memref<40x128xi32, #tpu.memory_space<vmem>> -> memref<1x128xi32, #tpu.memory_space<vmem>>
    %dma_wait3A_48 = tpu.memref_squeeze %dma_wait3A_47 : memref<1x128xi32, #tpu.memory_space<vmem>> -> memref<128xi32, #tpu.memory_space<vmem>>
    %dma_wait3A_49 = arith.constant 0 : i32
    %dma_wait3A_50 = arith.constant 0 : i32
    %dma_wait3A_51 = tpu.memref_slice %arg10[%dma_wait3A_49, %dma_wait3A_50] : memref<10240x128xf32, #tpu.memory_space<vmem_shared>> -> memref<10240x128xf32, #tpu.memory_space<vmem_shared>>
    tpu.wait_indirect_dma semaphore(%arg14 : memref<!tpu.dma_semaphore, #tpu.memory_space<semaphore_mem>>) src(%arg9 : memref<128x128xf32, #tpu.memory_space<vmem>>) dst(%dma_wait3A_51 : memref<10240x128xf32, #tpu.memory_space<vmem_shared>>)
    %mul3A_52 = arith.constant 80 : i32
    %mul3A_53 = arith.muli %add3A, %mul3A_52 : i32
    %add3A_54 = arith.constant 40 : i32
    %add3A_55 = arith.addi %mul3A_53, %add3A_54 : i32
    "tpu.region"() ({
      %run_scoped3A = tpu.sem_alloc : memref<!tpu.dma_semaphore, #tpu.memory_space<semaphore_mem>>
      %dma_start3A_101 = arith.constant 0 : i32
      %dma_start3A_102 = tpu.memref_slice %arg3[%add3A_55, %dma_start3A_101] : memref<2560x128xi32, #tpu.memory_space<hbm>> -> memref<40x128xi32, #tpu.memory_space<hbm>>
      %dma_start3A_103 = arith.constant 0 : i32
      %dma_start3A_104 = tpu.memref_slice %arg3[%add3A_55, %dma_start3A_103] : memref<2560x128xi32, #tpu.memory_space<hbm>> -> memref<40x128xi32, #tpu.memory_space<hbm>>
      tpu.enqueue_dma source(%dma_start3A_104 : memref<40x128xi32, #tpu.memory_space<hbm>>) target(%arg6 : memref<40x128xi32, #tpu.memory_space<vmem>>) target_semaphore(%run_scoped3A : memref<!tpu.dma_semaphore, #tpu.memory_space<semaphore_mem>>)
      %dma_wait3A_105 = arith.constant 0 : i32
      %dma_wait3A_106 = tpu.memref_slice %arg3[%add3A_55, %dma_wait3A_105] : memref<2560x128xi32, #tpu.memory_space<hbm>> -> memref<40x128xi32, #tpu.memory_space<hbm>>
      %dma_wait3A_107 = arith.constant 0 : i32
      %dma_wait3A_108 = tpu.memref_slice %arg3[%add3A_55, %dma_wait3A_107] : memref<2560x128xi32, #tpu.memory_space<hbm>> -> memref<40x128xi32, #tpu.memory_space<hbm>>
      tpu.wait_dma2 semaphore(%run_scoped3A : memref<!tpu.dma_semaphore, #tpu.memory_space<semaphore_mem>>) src(%dma_wait3A_108 : memref<40x128xi32, #tpu.memory_space<hbm>>) dst(%arg6 : memref<40x128xi32, #tpu.memory_space<vmem>>)
      tpu.yield
    }) : () -> ()
    %mul3A_56 = arith.constant 80 : i32
    %mul3A_57 = arith.muli %add3A, %mul3A_56 : i32
    %add3A_58 = arith.constant 40 : i32
    %add3A_59 = arith.addi %mul3A_57, %add3A_58 : i32
    "tpu.region"() ({
      %run_scoped3A = tpu.sem_alloc : memref<!tpu.dma_semaphore, #tpu.memory_space<semaphore_mem>>
      %dma_start3A_101 = arith.constant 0 : i32
      %dma_start3A_102 = tpu.memref_slice %arg4[%add3A_59, %dma_start3A_101] : memref<2560x128xi32, #tpu.memory_space<hbm>> -> memref<40x128xi32, #tpu.memory_space<hbm>>
      %dma_start3A_103 = arith.constant 0 : i32
      %dma_start3A_104 = tpu.memref_slice %arg4[%add3A_59, %dma_start3A_103] : memref<2560x128xi32, #tpu.memory_space<hbm>> -> memref<40x128xi32, #tpu.memory_space<hbm>>
      tpu.enqueue_dma source(%dma_start3A_104 : memref<40x128xi32, #tpu.memory_space<hbm>>) target(%arg7 : memref<40x128xi32, #tpu.memory_space<vmem>>) target_semaphore(%run_scoped3A : memref<!tpu.dma_semaphore, #tpu.memory_space<semaphore_mem>>)
      %dma_wait3A_105 = arith.constant 0 : i32
      %dma_wait3A_106 = tpu.memref_slice %arg4[%add3A_59, %dma_wait3A_105] : memref<2560x128xi32, #tpu.memory_space<hbm>> -> memref<40x128xi32, #tpu.memory_space<hbm>>
      %dma_wait3A_107 = arith.constant 0 : i32
      %dma_wait3A_108 = tpu.memref_slice %arg4[%add3A_59, %dma_wait3A_107] : memref<2560x128xi32, #tpu.memory_space<hbm>> -> memref<40x128xi32, #tpu.memory_space<hbm>>
      tpu.wait_dma2 semaphore(%run_scoped3A : memref<!tpu.dma_semaphore, #tpu.memory_space<semaphore_mem>>) src(%dma_wait3A_108 : memref<40x128xi32, #tpu.memory_space<hbm>>) dst(%arg7 : memref<40x128xi32, #tpu.memory_space<vmem>>)
      tpu.yield
    }) : () -> ()
    %dma_start3A_60 = arith.constant 0 : i32
    %dma_start3A_61 = arith.constant 0 : i32
    %dma_start3A_62 = tpu.memref_slice %arg6[%dma_start3A_60, %dma_start3A_61] : memref<40x128xi32, #tpu.memory_space<vmem>> -> memref<1x128xi32, #tpu.memory_space<vmem>>
    %dma_start3A_63 = tpu.memref_squeeze %dma_start3A_62 : memref<1x128xi32, #tpu.memory_space<vmem>> -> memref<128xi32, #tpu.memory_space<vmem>>
    %dma_start3A_64 = arith.constant 0 : i32
    %dma_start3A_65 = arith.constant 0 : i32
    %dma_start3A_66 = tpu.memref_slice %arg2[%dma_start3A_64, %dma_start3A_65] : memref<10240x128xf32, #tpu.memory_space<hbm>> -> memref<10240x128xf32, #tpu.memory_space<hbm>>
    tpu.enqueue_indirect_dma source(%dma_start3A_66 : memref<10240x128xf32, #tpu.memory_space<hbm>>) target(%arg8 : memref<128x128xf32, #tpu.memory_space<vmem>>) offsets(%dma_start3A_63 : memref<128xi32, #tpu.memory_space<vmem>>) semaphore(%arg11 : memref<!tpu.dma_semaphore, #tpu.memory_space<semaphore_mem>>)
    %dma_start3A_67 = arith.constant 1 : i32
    %dma_start3A_68 = arith.constant 0 : i32
    %dma_start3A_69 = tpu.memref_slice %arg6[%dma_start3A_67, %dma_start3A_68] : memref<40x128xi32, #tpu.memory_space<vmem>> -> memref<1x128xi32, #tpu.memory_space<vmem>>
    %dma_start3A_70 = tpu.memref_squeeze %dma_start3A_69 : memref<1x128xi32, #tpu.memory_space<vmem>> -> memref<128xi32, #tpu.memory_space<vmem>>
    %dma_start3A_71 = arith.constant 0 : i32
    %dma_start3A_72 = arith.constant 0 : i32
    %dma_start3A_73 = tpu.memref_slice %arg2[%dma_start3A_71, %dma_start3A_72] : memref<10240x128xf32, #tpu.memory_space<hbm>> -> memref<10240x128xf32, #tpu.memory_space<hbm>>
    tpu.enqueue_indirect_dma source(%dma_start3A_73 : memref<10240x128xf32, #tpu.memory_space<hbm>>) target(%arg9 : memref<128x128xf32, #tpu.memory_space<vmem>>) offsets(%dma_start3A_70 : memref<128xi32, #tpu.memory_space<vmem>>) semaphore(%arg12 : memref<!tpu.dma_semaphore, #tpu.memory_space<semaphore_mem>>)
    %scan3A_74 = arith.constant 0 : i32
    %scan3A_75 = arith.constant 0 : i32
    %scan3A_76 = arith.constant 20 : i32
    %scan3A_77 = arith.addi %scan3A_75, %scan3A_76 : i32
    %scan3A_78 = arith.constant 1 : i32
    scf.for %scan3A_101 = %scan3A_75 to %scan3A_77 step %scan3A_78  : i32 {
      %mul3A_102 = arith.constant 2 : i32
      %mul3A_103 = arith.muli %mul3A_102, %scan3A_101 : i32
      %dma_wait3A_104 = arith.constant 0 : i32
      %dma_wait3A_105 = tpu.memref_slice %arg6[%mul3A_103, %dma_wait3A_104] : memref<40x128xi32, #tpu.memory_space<vmem>> -> memref<1x128xi32, #tpu.memory_space<vmem>>
      %dma_wait3A_106 = tpu.memref_squeeze %dma_wait3A_105 : memref<1x128xi32, #tpu.memory_space<vmem>> -> memref<128xi32, #tpu.memory_space<vmem>>
      %dma_wait3A_107 = arith.constant 0 : i32
      %dma_wait3A_108 = arith.constant 0 : i32
      %dma_wait3A_109 = tpu.memref_slice %arg2[%dma_wait3A_107, %dma_wait3A_108] : memref<10240x128xf32, #tpu.memory_space<hbm>> -> memref<10240x128xf32, #tpu.memory_space<hbm>>
      tpu.wait_indirect_dma semaphore(%arg11 : memref<!tpu.dma_semaphore, #tpu.memory_space<semaphore_mem>>) src(%dma_wait3A_109 : memref<10240x128xf32, #tpu.memory_space<hbm>>) dst(%arg8 : memref<128x128xf32, #tpu.memory_space<vmem>>)
      %dma_start3A_110 = arith.constant 0 : i32
      %dma_start3A_111 = tpu.memref_slice %arg7[%mul3A_103, %dma_start3A_110] : memref<40x128xi32, #tpu.memory_space<vmem>> -> memref<1x128xi32, #tpu.memory_space<vmem>>
      %dma_start3A_112 = tpu.memref_squeeze %dma_start3A_111 : memref<1x128xi32, #tpu.memory_space<vmem>> -> memref<128xi32, #tpu.memory_space<vmem>>
      %dma_start3A_113 = arith.constant 0 : i32
      %dma_start3A_114 = arith.constant 0 : i32
      %dma_start3A_115 = tpu.memref_slice %arg10[%dma_start3A_113, %dma_start3A_114] : memref<10240x128xf32, #tpu.memory_space<vmem_shared>> -> memref<10240x128xf32, #tpu.memory_space<vmem_shared>>
      tpu.enqueue_indirect_dma source(%arg8 : memref<128x128xf32, #tpu.memory_space<vmem>>) target(%dma_start3A_115 : memref<10240x128xf32, #tpu.memory_space<vmem_shared>>) offsets(%dma_start3A_112 : memref<128xi32, #tpu.memory_space<vmem>>) semaphore(%arg13 : memref<!tpu.dma_semaphore, #tpu.memory_space<semaphore_mem>>) {add = true}
      %add3A_116 = arith.constant 1 : i32
      %add3A_117 = arith.addi %mul3A_103, %add3A_116 : i32
      %dma_wait3A_118 = arith.constant 0 : i32
      %dma_wait3A_119 = tpu.memref_slice %arg6[%add3A_117, %dma_wait3A_118] : memref<40x128xi32, #tpu.memory_space<vmem>> -> memref<1x128xi32, #tpu.memory_space<vmem>>
      %dma_wait3A_120 = tpu.memref_squeeze %dma_wait3A_119 : memref<1x128xi32, #tpu.memory_space<vmem>> -> memref<128xi32, #tpu.memory_space<vmem>>
      %dma_wait3A_121 = arith.constant 0 : i32
      %dma_wait3A_122 = arith.constant 0 : i32
      %dma_wait3A_123 = tpu.memref_slice %arg2[%dma_wait3A_121, %dma_wait3A_122] : memref<10240x128xf32, #tpu.memory_space<hbm>> -> memref<10240x128xf32, #tpu.memory_space<hbm>>
      tpu.wait_indirect_dma semaphore(%arg12 : memref<!tpu.dma_semaphore, #tpu.memory_space<semaphore_mem>>) src(%dma_wait3A_123 : memref<10240x128xf32, #tpu.memory_space<hbm>>) dst(%arg9 : memref<128x128xf32, #tpu.memory_space<vmem>>)
      %add3A_124 = arith.constant 1 : i32
      %add3A_125 = arith.addi %mul3A_103, %add3A_124 : i32
      %dma_start3A_126 = arith.constant 0 : i32
      %dma_start3A_127 = tpu.memref_slice %arg7[%add3A_125, %dma_start3A_126] : memref<40x128xi32, #tpu.memory_space<vmem>> -> memref<1x128xi32, #tpu.memory_space<vmem>>
      %dma_start3A_128 = tpu.memref_squeeze %dma_start3A_127 : memref<1x128xi32, #tpu.memory_space<vmem>> -> memref<128xi32, #tpu.memory_space<vmem>>
      %dma_start3A_129 = arith.constant 0 : i32
      %dma_start3A_130 = arith.constant 0 : i32
      %dma_start3A_131 = tpu.memref_slice %arg10[%dma_start3A_129, %dma_start3A_130] : memref<10240x128xf32, #tpu.memory_space<vmem_shared>> -> memref<10240x128xf32, #tpu.memory_space<vmem_shared>>
      tpu.enqueue_indirect_dma source(%arg9 : memref<128x128xf32, #tpu.memory_space<vmem>>) target(%dma_start3A_131 : memref<10240x128xf32, #tpu.memory_space<vmem_shared>>) offsets(%dma_start3A_128 : memref<128xi32, #tpu.memory_space<vmem>>) semaphore(%arg14 : memref<!tpu.dma_semaphore, #tpu.memory_space<semaphore_mem>>) {add = true}
      %lt3A = arith.constant 19 : i32
      %lt3A_132 = arith.cmpi slt, %scan3A_101, %lt3A : i32
      %convert_element_type3A = arith.extui %lt3A_132 : i1 to i32
      %cond3A = arith.constant 0 : i32
      %cond3A_133 = arith.cmpi ne, %convert_element_type3A, %cond3A : i32
      scf.if %cond3A_133 {
        %dma_wait3A_134 = arith.constant 0 : i32
        %dma_wait3A_135 = tpu.memref_slice %arg7[%mul3A_103, %dma_wait3A_134] : memref<40x128xi32, #tpu.memory_space<vmem>> -> memref<1x128xi32, #tpu.memory_space<vmem>>
        %dma_wait3A_136 = tpu.memref_squeeze %dma_wait3A_135 : memref<1x128xi32, #tpu.memory_space<vmem>> -> memref<128xi32, #tpu.memory_space<vmem>>
        %dma_wait3A_137 = arith.constant 0 : i32
        %dma_wait3A_138 = arith.constant 0 : i32
        %dma_wait3A_139 = tpu.memref_slice %arg10[%dma_wait3A_137, %dma_wait3A_138] : memref<10240x128xf32, #tpu.memory_space<vmem_shared>> -> memref<10240x128xf32, #tpu.memory_space<vmem_shared>>
        tpu.wait_indirect_dma semaphore(%arg13 : memref<!tpu.dma_semaphore, #tpu.memory_space<semaphore_mem>>) src(%arg8 : memref<128x128xf32, #tpu.memory_space<vmem>>) dst(%dma_wait3A_139 : memref<10240x128xf32, #tpu.memory_space<vmem_shared>>)
        %add3A_140 = arith.constant 2 : i32
        %add3A_141 = arith.addi %mul3A_103, %add3A_140 : i32
        %dma_start3A_142 = arith.constant 0 : i32
        %dma_start3A_143 = tpu.memref_slice %arg6[%add3A_141, %dma_start3A_142] : memref<40x128xi32, #tpu.memory_space<vmem>> -> memref<1x128xi32, #tpu.memory_space<vmem>>
        %dma_start3A_144 = tpu.memref_squeeze %dma_start3A_143 : memref<1x128xi32, #tpu.memory_space<vmem>> -> memref<128xi32, #tpu.memory_space<vmem>>
        %dma_start3A_145 = arith.constant 0 : i32
        %dma_start3A_146 = arith.constant 0 : i32
        %dma_start3A_147 = tpu.memref_slice %arg2[%dma_start3A_145, %dma_start3A_146] : memref<10240x128xf32, #tpu.memory_space<hbm>> -> memref<10240x128xf32, #tpu.memory_space<hbm>>
        tpu.enqueue_indirect_dma source(%dma_start3A_147 : memref<10240x128xf32, #tpu.memory_space<hbm>>) target(%arg8 : memref<128x128xf32, #tpu.memory_space<vmem>>) offsets(%dma_start3A_144 : memref<128xi32, #tpu.memory_space<vmem>>) semaphore(%arg11 : memref<!tpu.dma_semaphore, #tpu.memory_space<semaphore_mem>>)
        %add3A_148 = arith.constant 1 : i32
        %add3A_149 = arith.addi %mul3A_103, %add3A_148 : i32
        %dma_wait3A_150 = arith.constant 0 : i32
        %dma_wait3A_151 = tpu.memref_slice %arg7[%add3A_149, %dma_wait3A_150] : memref<40x128xi32, #tpu.memory_space<vmem>> -> memref<1x128xi32, #tpu.memory_space<vmem>>
        %dma_wait3A_152 = tpu.memref_squeeze %dma_wait3A_151 : memref<1x128xi32, #tpu.memory_space<vmem>> -> memref<128xi32, #tpu.memory_space<vmem>>
        %dma_wait3A_153 = arith.constant 0 : i32
        %dma_wait3A_154 = arith.constant 0 : i32
        %dma_wait3A_155 = tpu.memref_slice %arg10[%dma_wait3A_153, %dma_wait3A_154] : memref<10240x128xf32, #tpu.memory_space<vmem_shared>> -> memref<10240x128xf32, #tpu.memory_space<vmem_shared>>
        tpu.wait_indirect_dma semaphore(%arg14 : memref<!tpu.dma_semaphore, #tpu.memory_space<semaphore_mem>>) src(%arg9 : memref<128x128xf32, #tpu.memory_space<vmem>>) dst(%dma_wait3A_155 : memref<10240x128xf32, #tpu.memory_space<vmem_shared>>)
        %add3A_156 = arith.constant 3 : i32
        %add3A_157 = arith.addi %mul3A_103, %add3A_156 : i32
        %dma_start3A_158 = arith.constant 0 : i32
        %dma_start3A_159 = tpu.memref_slice %arg6[%add3A_157, %dma_start3A_158] : memref<40x128xi32, #tpu.memory_space<vmem>> -> memref<1x128xi32, #tpu.memory_space<vmem>>
        %dma_start3A_160 = tpu.memref_squeeze %dma_start3A_159 : memref<1x128xi32, #tpu.memory_space<vmem>> -> memref<128xi32, #tpu.memory_space<vmem>>
        %dma_start3A_161 = arith.constant 0 : i32
        %dma_start3A_162 = arith.constant 0 : i32
        %dma_start3A_163 = tpu.memref_slice %arg2[%dma_start3A_161, %dma_start3A_162] : memref<10240x128xf32, #tpu.memory_space<hbm>> -> memref<10240x128xf32, #tpu.memory_space<hbm>>
        tpu.enqueue_indirect_dma source(%dma_start3A_163 : memref<10240x128xf32, #tpu.memory_space<hbm>>) target(%arg9 : memref<128x128xf32, #tpu.memory_space<vmem>>) offsets(%dma_start3A_160 : memref<128xi32, #tpu.memory_space<vmem>>) semaphore(%arg12 : memref<!tpu.dma_semaphore, #tpu.memory_space<semaphore_mem>>)
      } else {
      }
    }
    %scan3A_79 = arith.constant 20 : i32
    %dma_wait3A_80 = arith.constant 38 : i32
    %dma_wait3A_81 = arith.constant 0 : i32
    %dma_wait3A_82 = tpu.memref_slice %arg7[%dma_wait3A_80, %dma_wait3A_81] : memref<40x128xi32, #tpu.memory_space<vmem>> -> memref<1x128xi32, #tpu.memory_space<vmem>>
    %dma_wait3A_83 = tpu.memref_squeeze %dma_wait3A_82 : memref<1x128xi32, #tpu.memory_space<vmem>> -> memref<128xi32, #tpu.memory_space<vmem>>
    %dma_wait3A_84 = arith.constant 0 : i32
    %dma_wait3A_85 = arith.constant 0 : i32
    %dma_wait3A_86 = tpu.memref_slice %arg10[%dma_wait3A_84, %dma_wait3A_85] : memref<10240x128xf32, #tpu.memory_space<vmem_shared>> -> memref<10240x128xf32, #tpu.memory_space<vmem_shared>>
    tpu.wait_indirect_dma semaphore(%arg13 : memref<!tpu.dma_semaphore, #tpu.memory_space<semaphore_mem>>) src(%arg8 : memref<128x128xf32, #tpu.memory_space<vmem>>) dst(%dma_wait3A_86 : memref<10240x128xf32, #tpu.memory_space<vmem_shared>>)
    %dma_wait3A_87 = arith.constant 39 : i32
    %dma_wait3A_88 = arith.constant 0 : i32
    %dma_wait3A_89 = tpu.memref_slice %arg7[%dma_wait3A_87, %dma_wait3A_88] : memref<40x128xi32, #tpu.memory_space<vmem>> -> memref<1x128xi32, #tpu.memory_space<vmem>>
    %dma_wait3A_90 = tpu.memref_squeeze %dma_wait3A_89 : memref<1x128xi32, #tpu.memory_space<vmem>> -> memref<128xi32, #tpu.memory_space<vmem>>
    %dma_wait3A_91 = arith.constant 0 : i32
    %dma_wait3A_92 = arith.constant 0 : i32
    %dma_wait3A_93 = tpu.memref_slice %arg10[%dma_wait3A_91, %dma_wait3A_92] : memref<10240x128xf32, #tpu.memory_space<vmem_shared>> -> memref<10240x128xf32, #tpu.memory_space<vmem_shared>>
    tpu.wait_indirect_dma semaphore(%arg14 : memref<!tpu.dma_semaphore, #tpu.memory_space<semaphore_mem>>) src(%arg9 : memref<128x128xf32, #tpu.memory_space<vmem>>) dst(%dma_wait3A_93 : memref<10240x128xf32, #tpu.memory_space<vmem_shared>>)
    %barrier3A_94 = arith.constant 0 : index
    tpu.barrier barrier_id(%barrier3A_94)
    %scan3A_95 = arith.constant 0 : i32
    %scan3A_96 = arith.constant 0 : i32
    %scan3A_97 = arith.constant 5 : i32
    %scan3A_98 = arith.addi %scan3A_96, %scan3A_97 : i32
    %scan3A_99 = arith.constant 1 : i32
    scf.for %scan3A_101 = %scan3A_96 to %scan3A_98 step %scan3A_99  : i32 {
      %mul3A_102 = arith.constant 640 : i32
      %mul3A_103 = arith.muli %arg1, %mul3A_102 : i32
      %mul3A_104 = arith.constant 128 : i32
      %mul3A_105 = arith.muli %scan3A_101, %mul3A_104 : i32
      %add3A_106 = arith.addi %mul3A_103, %mul3A_105 : i32
      %mul3A_107 = arith.constant 640 : i32
      %mul3A_108 = arith.muli %arg1, %mul3A_107 : i32
      %mul3A_109 = arith.constant 128 : i32
      %mul3A_110 = arith.muli %scan3A_101, %mul3A_109 : i32
      %add3A_111 = arith.addi %mul3A_108, %mul3A_110 : i32
      "tpu.region"() ({
        %run_scoped3A = tpu.sem_alloc : memref<!tpu.dma_semaphore, #tpu.memory_space<semaphore_mem>>
        %dma_start3A_112 = arith.constant 0 : i32
        %dma_start3A_113 = tpu.memref_slice %arg5[%arg0, %add3A_111, %dma_start3A_112] : memref<2x10240x128xf32, #tpu.memory_space<hbm>> -> memref<1x128x128xf32, #tpu.memory_space<hbm>>
        %dma_start3A_114 = tpu.memref_squeeze %dma_start3A_113 : memref<1x128x128xf32, #tpu.memory_space<hbm>> -> memref<128x128xf32, #tpu.memory_space<hbm>>
        %dma_start3A_115 = arith.constant 0 : i32
        %dma_start3A_116 = tpu.memref_slice %arg10[%add3A_106, %dma_start3A_115] : memref<10240x128xf32, #tpu.memory_space<vmem_shared>> -> memref<128x128xf32, #tpu.memory_space<vmem_shared>>
        tpu.enqueue_dma source(%dma_start3A_116 : memref<128x128xf32, #tpu.memory_space<vmem_shared>>) target(%dma_start3A_114 : memref<128x128xf32, #tpu.memory_space<hbm>>) target_semaphore(%run_scoped3A : memref<!tpu.dma_semaphore, #tpu.memory_space<semaphore_mem>>)
        %dma_wait3A_117 = arith.constant 0 : i32
        %dma_wait3A_118 = tpu.memref_slice %arg5[%arg0, %add3A_111, %dma_wait3A_117] : memref<2x10240x128xf32, #tpu.memory_space<hbm>> -> memref<1x128x128xf32, #tpu.memory_space<hbm>>
        %dma_wait3A_119 = tpu.memref_squeeze %dma_wait3A_118 : memref<1x128x128xf32, #tpu.memory_space<hbm>> -> memref<128x128xf32, #tpu.memory_space<hbm>>
        %dma_wait3A_120 = arith.constant 0 : i32
        %dma_wait3A_121 = tpu.memref_slice %arg10[%add3A_106, %dma_wait3A_120] : memref<10240x128xf32, #tpu.memory_space<vmem_shared>> -> memref<128x128xf32, #tpu.memory_space<vmem_shared>>
        tpu.wait_dma2 semaphore(%run_scoped3A : memref<!tpu.dma_semaphore, #tpu.memory_space<semaphore_mem>>) src(%dma_wait3A_121 : memref<128x128xf32, #tpu.memory_space<vmem_shared>>) dst(%dma_wait3A_119 : memref<128x128xf32, #tpu.memory_space<hbm>>)
        tpu.yield
      }) : () -> ()
    }
    %scan3A_100 = arith.constant 5 : i32
    return
  }
}

module attributes {stable_mosaic.version = 14 : i64} {
  func.func @_tc_a1_body(%arg0: memref<10240x128xf32, #tpu.memory_space<vmem>>, %arg1: memref<128x128xf32, #tpu.memory_space<vmem>>, %arg2: memref<10240x128xf32, #tpu.memory_space<vmem>>) attributes {dimension_semantics = [], scalar_prefetch = 0 : i64, scratch_operands = 0 : i64, tpu.core_type = #tpu.core_type<tc>} {
    %get3A = arith.constant 0 : index
    %get3A_0 = arith.constant 0 : index
    %get3A_1 = vector.load %arg0[%get3A, %get3A_0] : memref<10240x128xf32, #tpu.memory_space<vmem>>, vector<10240x128xf32>
    %get3A_2 = arith.constant 0 : index
    %get3A_3 = arith.constant 0 : index
    %get3A_4 = vector.load %arg1[%get3A_2, %get3A_3] : memref<128x128xf32, #tpu.memory_space<vmem>>, vector<128x128xf32>
    %dot_general3A = arith.constant dense<0.000000e+00> : vector<10240x128xf32>
    %dot_general3A_5 = tpu.matmul %get3A_1, %get3A_4, %dot_general3A {dimension_numbers = #tpu.dot_dimension_numbers<[1], [0], [0], [1], [0, 0, 1, 1], [], []>, transpose_lhs_hint = false} : vector<10240x128xf32>, vector<128x128xf32>, vector<10240x128xf32> -> vector<10240x128xf32>
    %swap3A = arith.constant 0 : index
    %swap3A_6 = arith.constant 0 : index
    %swap3A_7 = vector.load %arg2[%swap3A, %swap3A_6] : memref<10240x128xf32, #tpu.memory_space<vmem>>, vector<10240x128xf32>
    tpu.vector_store %arg2[%swap3A, %swap3A_6], %dot_general3A_5 {strides = array<i32>} : memref<10240x128xf32, #tpu.memory_space<vmem>>, vector<10240x128xf32>,
    return
  }
}

module attributes {stable_mosaic.version = 14 : i64} {
  func.func @_tc_a2_body(%arg0: memref<10240x128xf32, #tpu.memory_space<vmem>>, %arg1: memref<2x10240x1xf32, #tpu.memory_space<vmem>>, %arg2: memref<10240x128xf32, #tpu.memory_space<vmem>>, %arg3: memref<10240x1xf32, #tpu.memory_space<vmem>>) attributes {dimension_semantics = [], scalar_prefetch = 0 : i64, scratch_operands = 0 : i64, tpu.core_type = #tpu.core_type<tc>} {
    %get3A = arith.constant 0 : index
    %get3A_0 = arith.constant 0 : index
    %get3A_1 = arith.constant 0 : index
    %get3A_2 = vector.load %arg1[%get3A, %get3A_0, %get3A_1] : memref<2x10240x1xf32, #tpu.memory_space<vmem>>, vector<1x10240x1xf32>
    %get3A_3 = vector.shape_cast %get3A_2 : vector<1x10240x1xf32> to vector<10240x1xf32>
    %get3A_4 = arith.constant 1 : index
    %get3A_5 = arith.constant 0 : index
    %get3A_6 = arith.constant 0 : index
    %get3A_7 = vector.load %arg1[%get3A_4, %get3A_5, %get3A_6] : memref<2x10240x1xf32, #tpu.memory_space<vmem>>, vector<1x10240x1xf32>
    %get3A_8 = vector.shape_cast %get3A_7 : vector<1x10240x1xf32> to vector<10240x1xf32>
    %add3A = arith.addf %get3A_3, %get3A_8 : vector<10240x1xf32>
    %add3A_9 = arith.constant 1.000000e+00 : f32
    %add3A_10 = vector.broadcast %add3A_9 : f32 to vector<10240x1xf32>
    %add3A_11 = arith.addf %add3A, %add3A_10 : vector<10240x1xf32>
    %rsqrt3A = math.rsqrt %add3A_11 : vector<10240x1xf32>
    %swap3A = arith.constant 0 : index
    %swap3A_12 = arith.constant 0 : index
    %swap3A_13 = vector.load %arg3[%swap3A, %swap3A_12] : memref<10240x1xf32, #tpu.memory_space<vmem>>, vector<10240x1xf32>
    tpu.vector_store %arg3[%swap3A, %swap3A_12], %rsqrt3A {strides = array<i32>} : memref<10240x1xf32, #tpu.memory_space<vmem>>, vector<10240x1xf32>,
    %get3A_14 = arith.constant 0 : index
    %get3A_15 = arith.constant 0 : index
    %get3A_16 = vector.load %arg0[%get3A_14, %get3A_15] : memref<10240x128xf32, #tpu.memory_space<vmem>>, vector<10240x128xf32>
    %mul3A = vector.broadcast %rsqrt3A : vector<10240x1xf32> to vector<10240x128xf32>
    %mul3A_17 = arith.mulf %get3A_16, %mul3A : vector<10240x128xf32>
    %swap3A_18 = arith.constant 0 : index
    %swap3A_19 = arith.constant 0 : index
    %swap3A_20 = vector.load %arg2[%swap3A_18, %swap3A_19] : memref<10240x128xf32, #tpu.memory_space<vmem>>, vector<10240x128xf32>
    tpu.vector_store %arg2[%swap3A_18, %swap3A_19], %mul3A_17 {strides = array<i32>} : memref<10240x128xf32, #tpu.memory_space<vmem>>, vector<10240x128xf32>,
    return
  }
}

module attributes {stable_mosaic.version = 14 : i64} {
  func.func @_tc_b_body(%arg0: memref<2x10240x128xf32, #tpu.memory_space<vmem>>, %arg1: memref<10240x128xf32, #tpu.memory_space<vmem>>, %arg2: memref<10240x1xf32, #tpu.memory_space<vmem>>, %arg3: memref<128x128xf32, #tpu.memory_space<vmem>>, %arg4: memref<128xf32, #tpu.memory_space<vmem>>, %arg5: memref<10240x128xf32, #tpu.memory_space<vmem>>) attributes {dimension_semantics = [], scalar_prefetch = 0 : i64, scratch_operands = 0 : i64, tpu.core_type = #tpu.core_type<tc>} {
    %get3A = arith.constant 0 : index
    %get3A_0 = arith.constant 0 : index
    %get3A_1 = vector.load %arg2[%get3A, %get3A_0] : memref<10240x1xf32, #tpu.memory_space<vmem>>, vector<10240x1xf32>
    %get3A_2 = arith.constant 0 : index
    %get3A_3 = arith.constant 0 : index
    %get3A_4 = arith.constant 0 : index
    %get3A_5 = vector.load %arg0[%get3A_2, %get3A_3, %get3A_4] : memref<2x10240x128xf32, #tpu.memory_space<vmem>>, vector<1x10240x128xf32>
    %get3A_6 = vector.shape_cast %get3A_5 : vector<1x10240x128xf32> to vector<10240x128xf32>
    %get3A_7 = arith.constant 1 : index
    %get3A_8 = arith.constant 0 : index
    %get3A_9 = arith.constant 0 : index
    %get3A_10 = vector.load %arg0[%get3A_7, %get3A_8, %get3A_9] : memref<2x10240x128xf32, #tpu.memory_space<vmem>>, vector<1x10240x128xf32>
    %get3A_11 = vector.shape_cast %get3A_10 : vector<1x10240x128xf32> to vector<10240x128xf32>
    %add3A = arith.addf %get3A_6, %get3A_11 : vector<10240x128xf32>
    %get3A_12 = arith.constant 0 : index
    %get3A_13 = arith.constant 0 : index
    %get3A_14 = vector.load %arg1[%get3A_12, %get3A_13] : memref<10240x128xf32, #tpu.memory_space<vmem>>, vector<10240x128xf32>
    %add3A_15 = arith.addf %add3A, %get3A_14 : vector<10240x128xf32>
    %mul3A = vector.broadcast %get3A_1 : vector<10240x1xf32> to vector<10240x128xf32>
    %mul3A_16 = arith.mulf %mul3A, %add3A_15 : vector<10240x128xf32>
    %get3A_17 = arith.constant 0 : index
    %get3A_18 = vector.load %arg4[%get3A_17] : memref<128xf32, #tpu.memory_space<vmem>>, vector<128xf32>
    %broadcast_in_dim3A = vector.shape_cast %get3A_18 : vector<128xf32> to vector<1x128xf32>
    %add3A_19 = vector.broadcast %broadcast_in_dim3A : vector<1x128xf32> to vector<10240x128xf32>
    %add3A_20 = arith.addf %mul3A_16, %add3A_19 : vector<10240x128xf32>
    %max3A = arith.constant 0.000000e+00 : f32
    %max3A_21 = vector.broadcast %max3A : f32 to vector<10240x128xf32>
    %max3A_22 = arith.maximumf %add3A_20, %max3A_21 : vector<10240x128xf32>
    %get3A_23 = arith.constant 0 : index
    %get3A_24 = arith.constant 0 : index
    %get3A_25 = vector.load %arg3[%get3A_23, %get3A_24] : memref<128x128xf32, #tpu.memory_space<vmem>>, vector<128x128xf32>
    %dot_general3A = arith.constant dense<0.000000e+00> : vector<10240x128xf32>
    %dot_general3A_26 = tpu.matmul %max3A_22, %get3A_25, %dot_general3A {dimension_numbers = #tpu.dot_dimension_numbers<[1], [0], [0], [1], [0, 0, 1, 1], [], []>, transpose_lhs_hint = false} : vector<10240x128xf32>, vector<128x128xf32>, vector<10240x128xf32> -> vector<10240x128xf32>
    %mul3A_27 = vector.broadcast %get3A_1 : vector<10240x1xf32> to vector<10240x128xf32>
    %mul3A_28 = arith.mulf %dot_general3A_26, %mul3A_27 : vector<10240x128xf32>
    %swap3A = arith.constant 0 : index
    %swap3A_29 = arith.constant 0 : index
    %swap3A_30 = vector.load %arg5[%swap3A, %swap3A_29] : memref<10240x128xf32, #tpu.memory_space<vmem>>, vector<10240x128xf32>
    tpu.vector_store %arg5[%swap3A, %swap3A_29], %mul3A_28 {strides = array<i32>} : memref<10240x128xf32, #tpu.memory_space<vmem>>, vector<10240x128xf32>,
    return
  }
}

module attributes {stable_mosaic.version = 14 : i64} {
  func.func @_tc_c_body(%arg0: memref<2x10240x128xf32, #tpu.memory_space<vmem>>, %arg1: memref<10240x128xf32, #tpu.memory_space<vmem>>, %arg2: memref<10240x1xf32, #tpu.memory_space<vmem>>, %arg3: memref<128xf32, #tpu.memory_space<vmem>>, %arg4: memref<10240x128xf32, #tpu.memory_space<vmem>>) attributes {dimension_semantics = [], scalar_prefetch = 0 : i64, scratch_operands = 0 : i64, tpu.core_type = #tpu.core_type<tc>} {
    %get3A = arith.constant 0 : index
    %get3A_0 = arith.constant 0 : index
    %get3A_1 = vector.load %arg2[%get3A, %get3A_0] : memref<10240x1xf32, #tpu.memory_space<vmem>>, vector<10240x1xf32>
    %get3A_2 = arith.constant 0 : index
    %get3A_3 = arith.constant 0 : index
    %get3A_4 = arith.constant 0 : index
    %get3A_5 = vector.load %arg0[%get3A_2, %get3A_3, %get3A_4] : memref<2x10240x128xf32, #tpu.memory_space<vmem>>, vector<1x10240x128xf32>
    %get3A_6 = vector.shape_cast %get3A_5 : vector<1x10240x128xf32> to vector<10240x128xf32>
    %get3A_7 = arith.constant 1 : index
    %get3A_8 = arith.constant 0 : index
    %get3A_9 = arith.constant 0 : index
    %get3A_10 = vector.load %arg0[%get3A_7, %get3A_8, %get3A_9] : memref<2x10240x128xf32, #tpu.memory_space<vmem>>, vector<1x10240x128xf32>
    %get3A_11 = vector.shape_cast %get3A_10 : vector<1x10240x128xf32> to vector<10240x128xf32>
    %add3A = arith.addf %get3A_6, %get3A_11 : vector<10240x128xf32>
    %get3A_12 = arith.constant 0 : index
    %get3A_13 = arith.constant 0 : index
    %get3A_14 = vector.load %arg1[%get3A_12, %get3A_13] : memref<10240x128xf32, #tpu.memory_space<vmem>>, vector<10240x128xf32>
    %add3A_15 = arith.addf %add3A, %get3A_14 : vector<10240x128xf32>
    %mul3A = vector.broadcast %get3A_1 : vector<10240x1xf32> to vector<10240x128xf32>
    %mul3A_16 = arith.mulf %mul3A, %add3A_15 : vector<10240x128xf32>
    %get3A_17 = arith.constant 0 : index
    %get3A_18 = vector.load %arg3[%get3A_17] : memref<128xf32, #tpu.memory_space<vmem>>, vector<128xf32>
    %broadcast_in_dim3A = vector.shape_cast %get3A_18 : vector<128xf32> to vector<1x128xf32>
    %add3A_19 = vector.broadcast %broadcast_in_dim3A : vector<1x128xf32> to vector<10240x128xf32>
    %add3A_20 = arith.addf %mul3A_16, %add3A_19 : vector<10240x128xf32>
    %max3A = arith.constant 0.000000e+00 : f32
    %max3A_21 = vector.broadcast %max3A : f32 to vector<10240x128xf32>
    %max3A_22 = arith.maximumf %add3A_20, %max3A_21 : vector<10240x128xf32>
    %swap3A = arith.constant 0 : index
    %swap3A_23 = arith.constant 0 : index
    %swap3A_24 = vector.load %arg4[%swap3A, %swap3A_23] : memref<10240x128xf32, #tpu.memory_space<vmem>>, vector<10240x128xf32>
    tpu.vector_store %arg4[%swap3A, %swap3A_23], %max3A_22 {strides = array<i32>} : memref<10240x128xf32, #tpu.memory_space<vmem>>, vector<10240x128xf32>,
    return
  }
}

</mosaic_0001>

<sc_bundles>
// kernel: _impl.12.cloned.1.call-start
scs
__scs_entry_jumppad:
0x0: {  	(pc) =	sbr.rel $0x88, $3  }
0x1: {  	(tag) =	ssettag $0x0;
	lr =	simm.s32 $0x1  }
0x2: {  	[smem:$0x3F9B] =	sst lr;
	_ =	strace $0xD0000000  }
0x3: {  	_ = 	snop  }
0x4: {  	_ = 	snop  }
0x5: {  	_ = 	snop  }
0x6: {  	_ = 	snop  }
0x7: {  	_ = 	snop  }
__scs_overlays_trampoline_lowered:
0x8: {  	[smem:$0x3FAA] =	sst s0  }
0x9: {  	[smem:$0x3FAB] =	sst s1  }
0xa: {  	[smem:$0x3FAC] =	sst s2  }
0xb: {  	[smem:$0x3FAD] =	sst s3  }
0xc: {  	[smem:$0x3FAE] =	sst s4  }
0xd: {  	[smem:$0x3FAF] =	sst s5  }
0xe: {  	[smem:$0x3FB0] =	sst s6  }
0xf: {  	[smem:$0x3FB1] =	sst s7  }
0x10: {  	[smem:$0x3FB2] =	sst s8  }
0x11: {  	[smem:$0x3FB3] =	sst s9;
	s0 =	simm.s32 @!p0 $0x0  }
0x12: {  	s1 =	sld [smem:$0x3F99];
	s0 =	simm.s32 @p0 $0x1  }
0x13: {  	[smem:$0x3FB4] =	sst s0;
	s0 =	simm.s32 @!p1 $0x0  }
0x14: {  	s2 =	sld [smem:$0x3F98];
	s0 =	simm.s32 @p1 $0x1  }
0x15: {  	[smem:$0x3FB5] =	sst s0;
	s0 =	simm.s32 @!p2 $0x0  }
0x16: {  	s3 =	sld [smem:$0x3FDB];
	s0 =	simm.s32 @p2 $0x1  }
0x17: {  	s4 =	simm.s32 $0x1BF5;
	[smem:$0x3FB7] =	sst s0  }
0x18: {  	s0 =	sld [smem:$0x3F9A];
	_ =	swait.ge [sflag:s4], $0x0  }
0x19: {  	s7 =	sld [smem:$0x3F9B]  }
0x1a: {  	s8 =	sadd.s32 $0xFFFFE003, lr  }
0x1b: {  	s9 =	sadd.s32 $0xFFFFFEF7, lr;
	s5 =	simm.s32 $0xFFFFFFFF;
	p2 =	slt.u32 s8, $0xFFFFF086  }
0x1c: {  	p1 =	slt.u32 s9, $0xF7A;
	s5 =	simm.s32 @!p2 $0x0  }
0x1d: {  	s5 =	simm.s32 @p1 $0x1;
	p0 =	seq.s32 s7, s2  }
0x1e: {  	s7 =	smul.u32 @!p0 $0xF7A, s2;
	p2 =	seq.s32 @!p0 s5, $0x0  }
0x1f: {  	s9 =	smul.u32 $0xF7A, s1;
	s8 =	simm.s32 @!p0 $0x1BF5;
	p2 =	por !p2, p0  }
0x20: {  	[sflag:s8] =	ssyncset.s32 @!p0 $0xFFFFF086;
	s6 =	sadd.s32 @!p0 s3, s7;
	s7 =	simm.s32 @!p0 $0x108  }
0x21: {  	s3 =	sadd.s32 s3, s9;
	s6 =	sadd.s32 @!p0 $0x88, s6;
	s7 =	simm.s32 @p2 $0x1082  }
0x22: {  	[simem:s7], [sflag:s8] =	dma.local @!p0 [hbm:s6], $0xF7A  }
0x23: {  	s9 =	sor.u32 $0xD0000000, s2;
	s6 =	simm.s32 $0x108;
	_ =	swait.ge @!p0 [sflag:s8], $0x0  }
0x24: {  	s3 =	sadd.s32 $0x88, s3;
	s6 =	simm.s32 @!p1 $0x1082;
	[sflag:s4] =	ssyncset.s32 $0xFFFFF086  }
0x25: {  	[simem:s6], [sflag:s4] =	dma.local [hbm:s3], $0xF7A  }
0x26: {  	[smem:$0x3F9B] =	sst s1;
	(tag) =	ssettag s2;
	_ =	strace s9  }
0x27: {  	s1 =	sld [smem:$0x3FAB]  }
0x28: {  	s2 =	sld [smem:$0x3FAC]  }
0x29: {  	s4 =	sld [smem:$0x3FAE]  }
0x2a: {  	p0 =	seq.s32 s5, $0x0;
	s5 =	sld [smem:$0x3FAF]  }
0x2b: {  	s6 =	sld [smem:$0x3FB0]  }
0x2c: {  	s7 =	sld [smem:$0x3FB1]  }
0x2d: {  	s3 =	simm.s32 $0x108;
	s8 =	sld [smem:$0x3FB2]  }
0x2e: {  	s3 =	simm.s32 @!p0 $0x1082;
	s9 =	sld [smem:$0x3FB3]  }
0x2f: {  	lr =	sadd.s32 s0, s3;
	s0 =	sld [smem:$0x3FAA]  }
0x30: {  	s3 =	sld [smem:$0x3FAD]  }
0x31: {  	[smem:$0x3FB6] =	sst s10  }
0x32: {  	s10 =	sld [smem:$0x3FB4];
	_ =	sdelay $0x3  }
0x33: {  	p0 =	seq.s32 s10, $0x1;
	s10 =	sld [smem:$0x3FB6];
	_ =	sdelay $0x3  }
0x34: {  	[smem:$0x3FB6] =	sst s10  }
0x35: {  	s10 =	sld [smem:$0x3FB5];
	_ =	sdelay $0x3  }
0x36: {  	p1 =	seq.s32 s10, $0x1;
	s10 =	sld [smem:$0x3FB6];
	_ =	sdelay $0x3  }
0x37: {  	[smem:$0x3FB6] =	sst s10  }
0x38: {  	s10 =	sld [smem:$0x3FB7]  }
0x39: {  	_ = 	snop;
	(pc) =	sbr.ind lr, $3  }
0x3a: {  	_ = 	snop  }
0x3b: {  	_ = 	snop  }
0x3c: {  	p2 =	seq.s32 s10, $0x1;
	s10 =	sld [smem:$0x3FB6]  }
0x3d: {  	_ =	shalt  }
0x3e: {  	_ =	shalt  }
0x3f: {  	_ =	shalt  }
0x40: {  	_ =	shalt  }
0x41: {  	_ =	shalt  }
0x42: {  	_ =	shalt  }
0x43: {  	_ =	shalt  }
0x44: {  	_ =	shalt  }
0x45: {  	_ =	shalt  }
0x46: {  	_ =	shalt  }
0x47: {  	_ =	shalt  }
0x48: {  	_ =	shalt  }
0x49: {  	_ =	shalt  }
0x4a: {  	_ =	shalt  }
0x4b: {  	_ =	shalt  }
0x4c: {  	_ =	shalt  }
0x4d: {  	_ =	shalt  }
0x4e: {  	_ =	shalt  }
0x4f: {  	_ =	shalt  }
0x50: {  	_ =	shalt  }
0x51: {  	_ =	shalt  }
0x52: {  	_ =	shalt  }
0x53: {  	_ =	shalt  }
0x54: {  	_ =	shalt  }
0x55: {  	_ =	shalt  }
0x56: {  	_ =	shalt  }
0x57: {  	_ =	shalt  }
0x58: {  	_ =	shalt  }
0x59: {  	_ =	shalt  }
0x5a: {  	_ =	shalt  }
0x5b: {  	_ =	shalt  }
0x5c: {  	_ =	shalt  }
0x5d: {  	_ =	shalt  }
0x5e: {  	_ =	shalt  }
0x5f: {  	_ =	shalt  }
0x60: {  	_ =	shalt  }
0x61: {  	_ =	shalt  }
0x62: {  	_ =	shalt  }
0x63: {  	_ =	shalt  }
0x64: {  	_ =	shalt  }
0x65: {  	_ =	shalt  }
0x66: {  	_ =	shalt  }
0x67: {  	_ =	shalt  }
0x68: {  	_ =	shalt  }
0x69: {  	_ =	shalt  }
0x6a: {  	_ =	shalt  }
0x6b: {  	_ =	shalt  }
0x6c: {  	_ =	shalt  }
0x6d: {  	_ =	shalt  }
0x6e: {  	_ =	shalt  }
0x6f: {  	_ =	shalt  }
0x70: {  	_ =	shalt  }
0x71: {  	_ =	shalt  }
0x72: {  	_ =	shalt  }
0x73: {  	_ =	shalt  }
0x74: {  	_ =	shalt  }
0x75: {  	_ =	shalt  }
0x76: {  	_ =	shalt  }
0x77: {  	_ =	shalt  }
0x78: {  	_ =	shalt  }
0x79: {  	_ =	shalt  }
0x7a: {  	_ =	shalt  }
0x7b: {  	_ =	shalt  }
0x7c: {  	_ =	shalt  }
0x7d: {  	_ =	shalt  }
0x7e: {  	_ =	shalt  }
0x7f: {  	_ =	shalt  }
0x80: {  	_ =	shalt  }
0x81: {  	_ =	shalt  }
0x82: {  	_ =	shalt  }
0x83: {  	_ =	shalt  }
0x84: {  	_ =	shalt  }
0x85: {  	_ =	shalt  }
0x86: {  	_ =	shalt  }
0x87: {  	_ =	shalt  }
.Lfunc_end0:
.L_simem_size_0:
called_computation.1_lowered:
.L_overlay_start_0:
0x88: {  	s2 =	sld [smem:$0x3FD9]  }
0x89: {  	s3 =	sld [smem:$0x3FFE];
	_ =	sdelay $0x1  }
0x8a: {  	s1 =	srdreg.scid  }
0x8b: {  	s0 =	sand.u32 $0x1, s1  }
0x8c: {  	s17 =	sshll.u32 s0, $0xA;
	s2 =	sadd.s32 s3, s2  }
0x8d: {  	s2 =	sadd.s32 s2, s17  }
0x8e: {  	[smem:$0x3FC2] =	sst s2  }
0x8f: {  	_ = 	snop  }
0x90: {  	s2 =	sld [smem:$0x3FD0];
	(tm) =	ssettm $0x1  }
0x91: {  	s18 =	sld [smem:$0x3FFB];
	_ =	sdelay $0x3  }
0x92: {  	_ =	strace s18  }
0x93: {  	s3 =	sld [smem:$0x3FFC];
	_ =	sdelay $0x3  }
0x94: {  	_ =	strace s3  }
0x95: {  	s3 =	sld [smem:$0x3FFD];
	_ =	sdelay $0x3  }
0x96: {  	_ =	strace s3  }
0x97: {  	_ =	strace $0x8FFFFFFF  }
0x98: {  	s19 =	sld [smem:$0x3FDB];
	_ =	sdelay $0x1  }
0x99: {  	s4 =	simm.s32 $_scs_section_size  }
0x9a: {  	s5 =	simm.s32 $_size__tile_overlayer_lowered;
	s6 =	simm.s32 $_tile_overlayer_lowered  }
0x9b: {  	s22 =	simm.s32 $0x1BFF;
	s21 =	sshll.u32 s6, $0x1;
	s3 =	sadd.s32 s4, s19  }
0x9c: {  	s7 =	simm.s32 $0x0;
	s20 =	sshll.u32 s5, $0x1;
	s5 =	sadd.s32 s21, s3  }
0x9d: {  	[timem:s7], [sflag:s22] =	dma.local [hbm:s5], s20  }
0x9e: {  	_ =	swait.ge [sflag:s22], s20  }
0x9f: {  	s4 =	ssub.s32 $0x0, s20;
	[sflag:s22] =	ssyncset.done $0x0  }
0xa0: {  	[sflag:s22] =	ssyncadd.s32 s4;
	_ =	sdelay $0x1  }
0xa1: {  	s23 =	simm.s32 $0x1B8B  }
0xa2: {  	_ =	swait.ge [sflag:s23], $0x1  }
0xa3: {  	[sflag:s23] =	ssyncset.done $0x0  }
0xa4: {  	s25 =	simm.s32 $0x1B8E;
	s24 =	sld [smem:$0x3FFE];
	[sflag:s23] =	ssyncadd.s32 $0xFFFFFFFF  }
0xa5: {  	s26 =	simm.s32 $execute0_lowered;
	[smem:$0x3FD2] =	sst s25  }
0xa6: {  	s5 =	sshll.u32 s26, $0x1;
	_ =	strace $0x80000049;
	[dreg:$0x1] =	wrdreg $0xFFFFFFFF  }
0xa7: {  	s28 =	simm.s32 $_size_execute0_lowered;
	s3 =	sadd.s32 s3, s5;
	[dreg:$0x0] =	wrdreg $0x0  }
0xa8: {  	s5 =	sshll.u32 s28, $0x1;
	[dreg:$0x2] =	wrdreg s3  }
0xa9: {  	[dreg:$0x3] =	wrdreg s5  }
0xaa: {  	[dreg:$0x4] =	wrdreg $0xC0  }
0xab: {  	_ =	task [dreg:s7], $0x5FFFF  }
0xac: {  	[dreg:$0x1] =	wrdreg $0xFFFFFFFF  }
0xad: {  	[dreg:$0x0] =	wrdreg $0x60  }
0xae: {  	[dreg:$0x2] =	wrdreg s24  }
0xaf: {  	[dreg:$0x3] =	wrdreg s2  }
0xb0: {  	[dreg:$0x4] =	wrdreg $0xA8000  }
0xb1: {  	[dreg:$0x5] =	wrdreg $0x9  }
0xb2: {  	_ =	task.clear_ibuf [dreg:s7], $0x6FFFF;
	_ =	strace $0x90000049  }
0xb3: {  	s29 =	simm.s32 $0x9;
	_ =	strace $0x8000004B  }
0xb4: {  	_ =	swait.ge [sflag:s29], $0x1  }
0xb5: {  	[sflag:s29] =	ssyncadd.s32 $0xFFFFFFFF  }
0xb6: {  	_ =	strace $0x9000004B  }
0xb7: {  	_ =	sfence  }
0xb8: {  	s30 =	sld [smem:$0x0];
	_ =	sdelay $0x2  }
0xb9: {  	s31 =	sshll.u32 s1, $0xD;
	s1 =	sshrl.u32 s1, $0x2  }
0xba: {  	s3 =	sand.u32 $0x4000, s31;
	s1 =	sadd.s32 s1, s30  }
0xbb: {  	s0 =	sor.u32 s3, s0;
	s1 =	sshll.u32 s1, $0x11  }
0xbc: {  	s0 =	sor.u32 s1, s0  }
0xbd: {  	s0 =	sadd.s32 $0x8F2B, s0  }
0xbe: {  	[sflag:s0] =	ssyncadd.remote.s32 $0x1  }
0xbf: {  	_ =	sfence.sel $0xFFFF  }
0xc0: {  	[dreg:$0x0] =	wrdreg $0xFFFFFFFF;
	(pc) =	sbr.abs _section_cstart, $3  }
0xc1: {  	[dreg:$0x1] =	wrdreg $0xFFFFFFFF  }
0xc2: {  	_ =	task.clear_ibuf [dreg:s7], $0x2FFFF;
	_ =	strace $0x9FFFFFFF  }
0xc3: {  	(tm) =	ssettm $0x7FFFFFFF  }
tec
execute0_lowered:
.L_overlay_start_1:
0x0: {  	(tag) =	ssettag $0x1  }
0x1: {  	s0 =	rddreg [dreg:$0x0]  }
0x2: {  	s1 =	rddreg [dreg:$0x1]  }
0x3: {  	s2 =	rddreg [dreg:$0x2]  }
0x4: {  	s3 =	srdreg.scid;
	s11 =	stileid.u32  }
0x5: {  	s5 =	simm.s32 $0x0;
	s28 =	simm.s32 $0x80;
	s29 =	simm.s32 $0x6800  }
0x6: {  	s30 =	simm.s32 $0x1;
	s31 =	simm.s32 $0x2;
	s3 =	sand.u32 $0x1, s3  }
0x7: {  	s4 =	sshll.u32 s11, $0x1;
	[smem:$0x7FF] =	sst s5;
	s6 =	smul.u32 $0x50000, s11  }
0x8: {  	s8 =	sadd.s32 $0x2600, s0;
	s26 =	smul.u32 $0x14000, s11;
	s23 =	sor.u32 s3, s4  }
0x9: {  	_ =	strace $0x8000004A;
	s9 =	ssub.s32 $0x2, s3;
	s3 =	smul.u32 $0x140000, s3  }
0xa: {  	s4 =	sadd.s32 $0xC600, s0;
	s0 =	sadd.s32 $0x34600, s0;
	s7 =	smul.u32 $0x500, s23  }
0xb: {  	s10 =	smul.u32 $0x2800, s23;
	s24 =	sshrl.u32 s9, $0x1;
	s25 =	sshrl.u32 s6, $0x2  }
0xc: {  	s19 =	sadd.s32 $0x4000, s26;
	s21 =	sadd.s32 $0x8000, s26;
	s23 =	sadd.s32 $0xC000, s26  }
0xd: {  	s6 =	sadd.s32 $0x10000, s26;
	s9 =	ssub.s32 s9, s24;
	s5 =	sadd.s32 s25, s2  }
0xe: {  	s16 =	sadd.s32 s3, s26;
	s20 =	sadd.s32 s3, s19;
	s22 =	sadd.s32 s3, s21  }
0xf: {  	s24 =	sadd.s32 s3, s23;
	s3 =	sadd.s32 s3, s6;
	s25 =	sadd.s32 s23, s2  }
0x10: {  	s26 =	sadd.s32 s6, s2;
	s6 =	simm.s32 $0x2780;
	s14 =	sadd.s32 s8, s7  }
0x11: {  	s10 =	sshrl.u32 s10, $0x3;
	s7 =	sadd.s32 s1, s7;
	s17 =	sshrl.u32 s16, $0x3  }
0x12: {  	s18 =	smax.u32 s9, $0x1;
	s12 =	sadd.s32 $0x4000, s5;
	[dreg:$0x4] =	wrdreg s14  }
0x13: {  	s13 =	sadd.s32 $0x8000, s5;
	s3 =	sshrl.u32 s3, $0x3;
	[dreg:$0x5] =	wrdreg s7  }
0x14: {  	s15 =	sadd.s32 $0x280, s10;
	[dreg:$0x9] =	wrdreg s18;
	s14 =	sadd.s32 $0xC000, s5  }
0x15: {  	s7 =	sshrl.u32 s20, $0x3;
	s20 =	simm.s32 $0x2800;
	s8 =	sadd.s32 s8, s15  }
0x16: {  	s1 =	sadd.s32 s1, s15;
	s15 =	sadd.s32 $0x10000, s5;
	[dreg:$0x6] =	wrdreg s8  }
0x17: {  	s16 =	sadd.s32 s0, s7;
	s7 =	sshrl.u32 s22, $0x3;
	[dreg:$0x7] =	wrdreg s1  }
0x18: {  	s1 =	sadd.s32 s0, s17;
	s17 =	sadd.s32 s0, s7;
	s8 =	sadd.s32 s21, s2  }
0x19: {  	s7 =	sshrl.u32 s24, $0x3;
	s21 =	simm.s32 $0x5;
	s24 =	sshrl.u32 s25, $0x3  }
0x1a: {  	s25 =	sshrl.u32 s26, $0x3;
	s26 =	simm.s32 $0x1400;
	[dreg:$0x8] =	wrdreg s1  }
0x1b: {  	s1 =	sadd.s32 s19, s2;
	s18 =	sadd.s32 s0, s7;
	s19 =	sadd.s32 s0, s3  }
0x1c: {  	s23 =	sshrl.u32 s8, $0x3;
	s0 =	simm.s32 $0x3;
	s3 =	simm.s32 $0x2700  }
0x1d: {  	v0 =	vimm.f32 $0.0e+00;
	s7 =	simm.s32 $0x0;
	s22 =	sshrl.u32 s1, $0x3;
	s1 =	simm.s32 $0x4  }
.LBB2_1:
0x1e: {  	s9 =	simm.s32 $0x0  }
0x1f: {  	s8 =	sand.u32 $0xFE00, s9  }
0x20: {  	s9 =	sand.u32 $0x70, s9;
	s10 =	sshrl.u32 s8, $0x2  }
0x21: {  	s8 =	simm.s32 $0x40;
	s10 =	sor.u32 s9, s10;
	s9 =	simm.s32 $0x0  }
.LBB2_2:
0x22: {  	p0 =	sne.s32 s8, $0xFFC0  }
0x23: {  	[tilespmem:s10+$0x2800] =	vst v0;
	s9 =	sadd.s32 $0x10, s9;
	s10 =	smov.u32 s8;
	s8 =	sadd.s32 $0x40, s8  }
.Ltmp0:
0x24: {  	(pc) =	sbr.rel @p0 .LBB2_2-.Ltmp0, $4  }
0x25: {  	_ = 	snop  }
0x26: {  	s10 =	sand.u32 $0xFE00, s10  }
0x27: {  	s11 =	sand.u32 $0x70, s9;
	s10 =	sshrl.u32 s10, $0x2  }
0x28: {  	s10 =	sor.u32 s11, s10  }
0x29: {  	[tilespmem:s10+$0x2800] =	vst v0  }
0x2a: {  	[spmem:s5] =	stream.linear.scatter [tilespmem:s20], [sflag:$0x5], $0x4000, $0x38;
	[tilespmem:$0x1E800] =	vst v63  }
0x2b: {  	_ =	swait.ge [sflag:s21], $0x4000  }
0x2c: {  	[sflag:s21] =	ssyncset.done $0x0  }
0x2d: {  	[sflag:s21] =	ssyncadd.s32 $0xFFFFC000  }
0x2e: {  	[spmem:s12] =	stream.linear.scatter [tilespmem:s20], [sflag:$0x5], $0x4000, $0x38;
	[tilespmem:$0x1E800] =	vst v63  }
0x2f: {  	_ =	swait.ge [sflag:s21], $0x4000  }
0x30: {  	[sflag:s21] =	ssyncset.done $0x0  }
0x31: {  	[sflag:s21] =	ssyncadd.s32 $0xFFFFC000  }
0x32: {  	[spmem:s13] =	stream.linear.scatter [tilespmem:s20], [sflag:$0x5], $0x4000, $0x38;
	[tilespmem:$0x1E800] =	vst v63  }
0x33: {  	_ =	swait.ge [sflag:s21], $0x4000  }
0x34: {  	[sflag:s21] =	ssyncset.done $0x0  }
0x35: {  	[sflag:s21] =	ssyncadd.s32 $0xFFFFC000  }
0x36: {  	[spmem:s14] =	stream.linear.scatter [tilespmem:s20], [sflag:$0x5], $0x4000, $0x38;
	[tilespmem:$0x1E800] =	vst v63  }
0x37: {  	_ =	swait.ge [sflag:s21], $0x4000  }
0x38: {  	[sflag:s21] =	ssyncset.done $0x0  }
0x39: {  	[sflag:s21] =	ssyncadd.s32 $0xFFFFC000  }
0x3a: {  	[spmem:s15] =	stream.linear.scatter [tilespmem:s20], [sflag:$0x5], $0x4000, $0x38;
	[tilespmem:$0x1E800] =	vst v63  }
0x3b: {  	_ =	swait.ge [sflag:s21], $0x4000  }
0x3c: {  	[sflag:s21] =	ssyncset.done $0x0  }
0x3d: {  	[sflag:s21] =	ssyncadd.s32 $0xFFFFC000  }
0x3e: {  	[bflag:$0x0] =	sbarrier.arrive $0xFFFF  }
0x3f: {  	s8 =	simm.s32 $0x0;
	s9 =	rddreg [dreg:$0x4]  }
0x40: {  	[tilespmem:s8], [sflag:$0x5] =	stream.linear.gather [hbm4b:s9+s8], $0x1400, $0x38;
	[tilespmem:$0x1E800] =	vst v63  }
0x41: {  	_ =	swait.ge [sflag:s21], $0x1400  }
0x42: {  	[sflag:s21] =	ssyncset.done $0x0  }
0x43: {  	s11 =	rddreg [dreg:$0x5];
	[sflag:s21] =	ssyncadd.s32 $0xFFFFEC00  }
0x44: {  	[tilespmem:s26], [sflag:$0x5] =	stream.linear.gather [hbm4b:s11+s8], $0x1400, $0x38;
	[tilespmem:$0x1E800] =	vst v63  }
0x45: {  	_ =	swait.ge [sflag:s21], $0x1400  }
0x46: {  	[sflag:s21] =	ssyncset.done $0x0  }
0x47: {  	[sflag:s21] =	ssyncadd.s32 $0xFFFFEC00  }
0x48: {  	[tilespmem:s20], [sflag:$0x1] =	stream.indirect.gather [hbm4b:s4+s28], $0x80, s8, s28, $0xb8;
	[tilespmem:$0x1E800] =	vst v63  }
0x49: {  	_ = 	snop  }
0x4a: {  	[tilespmem:s29], [sflag:$0x2] =	stream.indirect.gather [hbm4b:s4+s28], $0x80, s28, s28, $0xb8;
	[tilespmem:$0x1E800] =	vst v63  }
0x4b: {  	_ =	swait.ge [sflag:s30], $0x4000  }
0x4c: {  	[sflag:s30] =	ssyncset.done $0x0  }
0x4d: {  	s9 =	simm.s32 $0x1400;
	[sflag:s30] =	ssyncadd.s32 $0xFFFFC000  }
0x4e: {  	[spmem:s2] =	stream.indirect.scatter.add.f32 [tilespmem:s20], [sflag:$0x3], $0x80, s9, s28, $0xb8;
	[tilespmem:$0x1E800] =	vst v63  }
0x4f: {  	_ =	swait.ge [sflag:s31], $0x4000  }
0x50: {  	[sflag:s31] =	ssyncset.done $0x0  }
0x51: {  	s10 =	simm.s32 $0x1480;
	[sflag:s31] =	ssyncadd.s32 $0xFFFFC000  }
0x52: {  	[spmem:s2] =	stream.indirect.scatter.add.f32 [tilespmem:s29], [sflag:$0x4], $0x80, s10, s28, $0xb8;
	[tilespmem:$0x1E800] =	vst v63  }
0x53: {  	_ =	swait.ge [sflag:s0], $0x4000  }
0x54: {  	[sflag:s0] =	ssyncset.done $0x0  }
0x55: {  	s11 =	simm.s32 $0x100;
	[sflag:s0] =	ssyncadd.s32 $0xFFFFC000  }
0x56: {  	[tilespmem:s20], [sflag:$0x1] =	stream.indirect.gather [hbm4b:s4+s28], $0x80, s11, s28, $0xb8;
	[tilespmem:$0x1E800] =	vst v63  }
0x57: {  	_ =	swait.ge [sflag:s1], $0x4000  }
0x58: {  	[sflag:s1] =	ssyncset.done $0x0  }
0x59: {  	s8 =	simm.s32 $0x400;
	s9 =	simm.s32 $0x180;
	[sflag:s1] =	ssyncadd.s32 $0xFFFFC000  }
.LBB2_4:
0x5a: {  	[tilespmem:s29], [sflag:$0x2] =	stream.indirect.gather [hbm4b:s4+s28], $0x80, s9, s28, $0xb8;
	[tilespmem:$0x1E800] =	vst v63  }
0x5b: {  	s9 =	smov.u32 s8  }
0x5c: {  	p0 =	sne.s32 s8, $0x4800;
	s8 =	sadd.s32 $0x400, s8;
	_ =	swait.ge [sflag:s30], $0x4000  }
0x5d: {  	s9 =	sshra.s32 s9, $0x2;
	[sflag:s30] =	ssyncset.done $0x0  }
0x5e: {  	s10 =	sadd.s32 $0x1400, s9;
	[sflag:s30] =	ssyncadd.s32 $0xFFFFC000  }
0x5f: {  	[spmem:s2] =	stream.indirect.scatter.add.f32 [tilespmem:s20], [sflag:$0x3], $0x80, s10, s28, $0xb8;
	[tilespmem:$0x1E800] =	vst v63  }
0x60: {  	_ =	swait.ge [sflag:s31], $0x4000  }
0x61: {  	[sflag:s31] =	ssyncset.done $0x0  }
0x62: {  	s10 =	sadd.s32 $0x1480, s9;
	[sflag:s31] =	ssyncadd.s32 $0xFFFFC000  }
0x63: {  	[spmem:s2] =	stream.indirect.scatter.add.f32 [tilespmem:s29], [sflag:$0x4], $0x80, s10, s28, $0xb8;
	[tilespmem:$0x1E800] =	vst v63  }
0x64: {  	_ =	swait.ge [sflag:s0], $0x4000  }
0x65: {  	[sflag:s0] =	ssyncset.done $0x0  }
.Ltmp1:
0x66: {  	s10 =	sadd.s32 $0x100, s9;
	[sflag:s0] =	ssyncadd.s32 $0xFFFFC000;
	(pc) =	sbr.rel @p0 .LBB2_4-.Ltmp1, $4  }
0x67: {  	[tilespmem:s20], [sflag:$0x1] =	stream.indirect.gather [hbm4b:s4+s28], $0x80, s10, s28, $0xb8;
	[tilespmem:$0x1E800] =	vst v63  }
0x68: {  	_ =	swait.ge [sflag:s1], $0x4000  }
0x69: {  	[sflag:s1] =	ssyncset.done $0x0  }
0x6a: {  	s9 =	sadd.s32 $0x180, s9;
	[sflag:s1] =	ssyncadd.s32 $0xFFFFC000  }
0x6b: {  	[tilespmem:s29], [sflag:$0x2] =	stream.indirect.gather [hbm4b:s4+s28], $0x80, s9, s28, $0xb8;
	[tilespmem:$0x1E800] =	vst v63  }
0x6c: {  	_ =	swait.ge [sflag:s30], $0x4000  }
0x6d: {  	[sflag:s30] =	ssyncset.done $0x0  }
0x6e: {  	[sflag:s30] =	ssyncadd.s32 $0xFFFFC000  }
0x6f: {  	[spmem:s2] =	stream.indirect.scatter.add.f32 [tilespmem:s20], [sflag:$0x3], $0x80, s3, s28, $0xb8;
	[tilespmem:$0x1E800] =	vst v63  }
0x70: {  	_ =	swait.ge [sflag:s31], $0x4000  }
0x71: {  	[sflag:s31] =	ssyncset.done $0x0  }
0x72: {  	[sflag:s31] =	ssyncadd.s32 $0xFFFFC000  }
0x73: {  	[spmem:s2] =	stream.indirect.scatter.add.f32 [tilespmem:s29], [sflag:$0x4], $0x80, s6, s28, $0xb8;
	[tilespmem:$0x1E800] =	vst v63  }
0x74: {  	_ =	swait.ge [sflag:s0], $0x4000  }
0x75: {  	[sflag:s0] =	ssyncset.done $0x0  }
0x76: {  	[sflag:s0] =	ssyncadd.s32 $0xFFFFC000  }
0x77: {  	_ =	swait.ge [sflag:s1], $0x4000  }
0x78: {  	[sflag:s1] =	ssyncset.done $0x0  }
0x79: {  	s8 =	simm.s32 $0x0;
	s10 =	rddreg [dreg:$0x6];
	[sflag:s1] =	ssyncadd.s32 $0xFFFFC000  }
0x7a: {  	[tilespmem:s8], [sflag:$0x5] =	stream.linear.gather [hbm4b:s10+s8], $0x1400, $0x38;
	[tilespmem:$0x1E800] =	vst v63  }
0x7b: {  	_ =	swait.ge [sflag:s21], $0x1400  }
0x7c: {  	[sflag:s21] =	ssyncset.done $0x0  }
0x7d: {  	s11 =	rddreg [dreg:$0x7];
	[sflag:s21] =	ssyncadd.s32 $0xFFFFEC00  }
0x7e: {  	[tilespmem:s26], [sflag:$0x5] =	stream.linear.gather [hbm4b:s11+s8], $0x1400, $0x38;
	[tilespmem:$0x1E800] =	vst v63  }
0x7f: {  	_ =	swait.ge [sflag:s21], $0x1400  }
0x80: {  	[sflag:s21] =	ssyncset.done $0x0  }
0x81: {  	[sflag:s21] =	ssyncadd.s32 $0xFFFFEC00  }
0x82: {  	[tilespmem:s20], [sflag:$0x1] =	stream.indirect.gather [hbm4b:s4+s28], $0x80, s8, s28, $0xb8;
	[tilespmem:$0x1E800] =	vst v63  }
0x83: {  	_ = 	snop  }
0x84: {  	[tilespmem:s29], [sflag:$0x2] =	stream.indirect.gather [hbm4b:s4+s28], $0x80, s28, s28, $0xb8;
	[tilespmem:$0x1E800] =	vst v63  }
0x85: {  	_ =	swait.ge [sflag:s30], $0x4000  }
0x86: {  	[sflag:s30] =	ssyncset.done $0x0  }
0x87: {  	s9 =	simm.s32 $0x1400;
	[sflag:s30] =	ssyncadd.s32 $0xFFFFC000  }
0x88: {  	[spmem:s2] =	stream.indirect.scatter.add.f32 [tilespmem:s20], [sflag:$0x3], $0x80, s9, s28, $0xb8;
	[tilespmem:$0x1E800] =	vst v63  }
0x89: {  	_ =	swait.ge [sflag:s31], $0x4000  }
0x8a: {  	[sflag:s31] =	ssyncset.done $0x0  }
0x8b: {  	s10 =	simm.s32 $0x1480;
	[sflag:s31] =	ssyncadd.s32 $0xFFFFC000  }
0x8c: {  	[spmem:s2] =	stream.indirect.scatter.add.f32 [tilespmem:s29], [sflag:$0x4], $0x80, s10, s28, $0xb8;
	[tilespmem:$0x1E800] =	vst v63  }
0x8d: {  	_ =	swait.ge [sflag:s0], $0x4000  }
0x8e: {  	[sflag:s0] =	ssyncset.done $0x0  }
0x8f: {  	s11 =	simm.s32 $0x100;
	[sflag:s0] =	ssyncadd.s32 $0xFFFFC000  }
0x90: {  	[tilespmem:s20], [sflag:$0x1] =	stream.indirect.gather [hbm4b:s4+s28], $0x80, s11, s28, $0xb8;
	[tilespmem:$0x1E800] =	vst v63  }
0x91: {  	_ =	swait.ge [sflag:s1], $0x4000  }
0x92: {  	[sflag:s1] =	ssyncset.done $0x0  }
0x93: {  	s8 =	simm.s32 $0x400;
	s9 =	simm.s32 $0x180;
	[sflag:s1] =	ssyncadd.s32 $0xFFFFC000  }
.LBB2_6:
0x94: {  	[tilespmem:s29], [sflag:$0x2] =	stream.indirect.gather [hbm4b:s4+s28], $0x80, s9, s28, $0xb8;
	[tilespmem:$0x1E800] =	vst v63  }
0x95: {  	s9 =	smov.u32 s8  }
0x96: {  	p0 =	sne.s32 s8, $0x4800;
	s8 =	sadd.s32 $0x400, s8;
	_ =	swait.ge [sflag:s30], $0x4000  }
0x97: {  	s9 =	sshra.s32 s9, $0x2;
	[sflag:s30] =	ssyncset.done $0x0  }
0x98: {  	s10 =	sadd.s32 $0x1400, s9;
	[sflag:s30] =	ssyncadd.s32 $0xFFFFC000  }
0x99: {  	[spmem:s2] =	stream.indirect.scatter.add.f32 [tilespmem:s20], [sflag:$0x3], $0x80, s10, s28, $0xb8;
	[tilespmem:$0x1E800] =	vst v63  }
0x9a: {  	_ =	swait.ge [sflag:s31], $0x4000  }
0x9b: {  	[sflag:s31] =	ssyncset.done $0x0  }
0x9c: {  	s10 =	sadd.s32 $0x1480, s9;
	[sflag:s31] =	ssyncadd.s32 $0xFFFFC000  }
0x9d: {  	[spmem:s2] =	stream.indirect.scatter.add.f32 [tilespmem:s29], [sflag:$0x4], $0x80, s10, s28, $0xb8;
	[tilespmem:$0x1E800] =	vst v63  }
0x9e: {  	_ =	swait.ge [sflag:s0], $0x4000  }
0x9f: {  	[sflag:s0] =	ssyncset.done $0x0  }
.Ltmp2:
0xa0: {  	s10 =	sadd.s32 $0x100, s9;
	[sflag:s0] =	ssyncadd.s32 $0xFFFFC000;
	(pc) =	sbr.rel @p0 .LBB2_6-.Ltmp2, $4  }
0xa1: {  	[tilespmem:s20], [sflag:$0x1] =	stream.indirect.gather [hbm4b:s4+s28], $0x80, s10, s28, $0xb8;
	[tilespmem:$0x1E800] =	vst v63  }
0xa2: {  	_ =	swait.ge [sflag:s1], $0x4000  }
0xa3: {  	[sflag:s1] =	ssyncset.done $0x0  }
0xa4: {  	s9 =	sadd.s32 $0x180, s9;
	[sflag:s1] =	ssyncadd.s32 $0xFFFFC000  }
0xa5: {  	[tilespmem:s29], [sflag:$0x2] =	stream.indirect.gather [hbm4b:s4+s28], $0x80, s9, s28, $0xb8;
	[tilespmem:$0x1E800] =	vst v63  }
0xa6: {  	_ =	swait.ge [sflag:s30], $0x4000  }
0xa7: {  	[sflag:s30] =	ssyncset.done $0x0  }
0xa8: {  	[sflag:s30] =	ssyncadd.s32 $0xFFFFC000  }
0xa9: {  	[spmem:s2] =	stream.indirect.scatter.add.f32 [tilespmem:s20], [sflag:$0x3], $0x80, s3, s28, $0xb8;
	[tilespmem:$0x1E800] =	vst v63  }
0xaa: {  	_ =	swait.ge [sflag:s31], $0x4000  }
0xab: {  	[sflag:s31] =	ssyncset.done $0x0  }
0xac: {  	[sflag:s31] =	ssyncadd.s32 $0xFFFFC000  }
0xad: {  	[spmem:s2] =	stream.indirect.scatter.add.f32 [tilespmem:s29], [sflag:$0x4], $0x80, s6, s28, $0xb8;
	[tilespmem:$0x1E800] =	vst v63  }
0xae: {  	_ =	swait.ge [sflag:s0], $0x4000  }
0xaf: {  	[sflag:s0] =	ssyncset.done $0x0  }
0xb0: {  	[sflag:s0] =	ssyncadd.s32 $0xFFFFC000  }
0xb1: {  	_ =	swait.ge [sflag:s1], $0x4000  }
0xb2: {  	[sflag:s1] =	ssyncset.done $0x0  }
0xb3: {  	s8 =	stileid.u32;
	[sflag:s1] =	ssyncadd.s32 $0xFFFFC000  }
0xb4: {  	s8 =	sshll.u32 s8, $0x6;
	[bflag:$0x0] =	sbarrier.arrive $0xFFFF  }
0xb5: {  	s11 =	sshrl.u32 s5, $0x3;
	s8 =	sor.u32 $0x1C05, s8;
	s10 =	rddreg [dreg:$0x8]  }
0xb6: {  	[hbm:s10], [sflag:s8] =	dma.local [spmem:s11], $0x800  }
0xb7: {  	_ =	swait.ge [sflag:s21], $0x800  }
0xb8: {  	[sflag:s21] =	ssyncset.done $0x0  }
0xb9: {  	[sflag:s21] =	ssyncadd.s32 $0xFFFFF800  }
0xba: {  	[hbm:s16], [sflag:s8] =	dma.local [spmem:s22], $0x800  }
0xbb: {  	_ =	swait.ge [sflag:s21], $0x800  }
0xbc: {  	[sflag:s21] =	ssyncset.done $0x0  }
0xbd: {  	[sflag:s21] =	ssyncadd.s32 $0xFFFFF800  }
0xbe: {  	[hbm:s17], [sflag:s8] =	dma.local [spmem:s23], $0x800  }
0xbf: {  	_ =	swait.ge [sflag:s21], $0x800  }
0xc0: {  	[sflag:s21] =	ssyncset.done $0x0  }
0xc1: {  	[sflag:s21] =	ssyncadd.s32 $0xFFFFF800  }
0xc2: {  	[hbm:s18], [sflag:s8] =	dma.local [spmem:s24], $0x800  }
0xc3: {  	_ =	swait.ge [sflag:s21], $0x800  }
0xc4: {  	[sflag:s21] =	ssyncset.done $0x0  }
0xc5: {  	[sflag:s21] =	ssyncadd.s32 $0xFFFFF800  }
0xc6: {  	[hbm:s19], [sflag:s8] =	dma.local [spmem:s25], $0x800  }
0xc7: {  	_ =	swait.ge [sflag:s21], $0x800  }
0xc8: {  	s7 =	sadd.s32 $0x1, s7;
	s11 =	rddreg [dreg:$0x9]  }
0xc9: {  	p0 =	sne.s32 s7, s11  }
.Ltmp3:
0xca: {  	_ = 	snop;
	(pc) =	sbr.rel @p0 .LBB2_1-.Ltmp3, $3  }
0xcb: {  	_ =	sdelay $0x1  }
0xcc: {  	[sflag:s21] =	ssyncset.done $0x0  }
0xcd: {  	[sflag:s21] =	ssyncadd.s32 $0xFFFFF800  }
0xce: {  	_ =	sfence.sel $0x180000  }
0xcf: {  	[bflag:$0x0] =	sbarrier.arrive $0xFFFF  }
0xd0: {  	_ =	strace $0x9000004A  }
0xd1: {  	s0 =	stileid.u32;
	[bflag:$0x2] =	sbarrier.arrive $0xFFFF  }
0xd2: {  	p0 =	sne.s32 s0, $0x0;
	s0 =	rddreg [dreg:$0x3]  }
0xd3: {  	s0 =	sadd.s32 @!p0 $0x100000, s0  }
0xd4: {  	[sflag:s0] =	ssyncadd.tile.s32 @!p0 $0x1;
	_ =	shalt  }
.Lfunc_end2:
_tile_overlayer_lowered:
.L_overlay_start_2:
0xd5: {  	(tag) =	ssettag $0x2  }
0xd6: {  	s0 =	rddreg [dreg:$0x0];
	s2 =	stileid.u32  }
0xd7: {  	s1 =	rddreg [dreg:$0x1];
	p0 =	sne.s32 s2, $0x0  }
0xd8: {  	s3 =	rddreg [dreg:$0x2];
	[bflag:$0x3] =	sbarrier.arrive $0xFFFF;
	s2 =	simm.s32 @!p0 $0x1C05  }
0xd9: {  	[timem:s3], [sflag:s2] =	dma.local @!p0 [hbm:s0], s1  }
0xda: {  	s0 =	simm.s32 @!p0 $0x5  }
0xdb: {  	_ =	swait.ge @!p0 [sflag:s0], s1  }
0xdc: {  	s1 =	ssub.s32 @!p0 $0x0, s1;
	[sflag:s0] =	ssyncset.done @!p0 $0x0  }
0xdd: {  	[sflag:s0] =	ssyncadd.s32 @!p0 s1  }
0xde: {  	[bflag:$0x3] =	sbarrier.arrive $0xFFFF  }
0xdf: {  	_ =	shalt  }

// kernel: _impl.15.cloned.1.call-start
scs
__scs_entry_jumppad:
0x0: {  	(pc) =	sbr.rel $0x88, $3  }
0x1: {  	(tag) =	ssettag $0x0;
	lr =	simm.s32 $0x1  }
0x2: {  	[smem:$0x3F9B] =	sst lr;
	_ =	strace $0xD0000000  }
0x3: {  	_ = 	snop  }
0x4: {  	_ = 	snop  }
0x5: {  	_ = 	snop  }
0x6: {  	_ = 	snop  }
0x7: {  	_ = 	snop  }
__scs_overlays_trampoline_lowered:
0x8: {  	[smem:$0x3FAA] =	sst s0  }
0x9: {  	[smem:$0x3FAB] =	sst s1  }
0xa: {  	[smem:$0x3FAC] =	sst s2  }
0xb: {  	[smem:$0x3FAD] =	sst s3  }
0xc: {  	[smem:$0x3FAE] =	sst s4  }
0xd: {  	[smem:$0x3FAF] =	sst s5  }
0xe: {  	[smem:$0x3FB0] =	sst s6  }
0xf: {  	[smem:$0x3FB1] =	sst s7  }
0x10: {  	[smem:$0x3FB2] =	sst s8  }
0x11: {  	[smem:$0x3FB3] =	sst s9;
	s0 =	simm.s32 @!p0 $0x0  }
0x12: {  	s1 =	sld [smem:$0x3F99];
	s0 =	simm.s32 @p0 $0x1  }
0x13: {  	[smem:$0x3FB4] =	sst s0;
	s0 =	simm.s32 @!p1 $0x0  }
0x14: {  	s2 =	sld [smem:$0x3F98];
	s0 =	simm.s32 @p1 $0x1  }
0x15: {  	[smem:$0x3FB5] =	sst s0;
	s0 =	simm.s32 @!p2 $0x0  }
0x16: {  	s3 =	sld [smem:$0x3FDB];
	s0 =	simm.s32 @p2 $0x1  }
0x17: {  	s4 =	simm.s32 $0x1BF5;
	[smem:$0x3FB7] =	sst s0  }
0x18: {  	s0 =	sld [smem:$0x3F9A];
	_ =	swait.ge [sflag:s4], $0x0  }
0x19: {  	s7 =	sld [smem:$0x3F9B]  }
0x1a: {  	s8 =	sadd.s32 $0xFFFFE003, lr  }
0x1b: {  	s9 =	sadd.s32 $0xFFFFFEF7, lr;
	s5 =	simm.s32 $0xFFFFFFFF;
	p2 =	slt.u32 s8, $0xFFFFF086  }
0x1c: {  	p1 =	slt.u32 s9, $0xF7A;
	s5 =	simm.s32 @!p2 $0x0  }
0x1d: {  	s5 =	simm.s32 @p1 $0x1;
	p0 =	seq.s32 s7, s2  }
0x1e: {  	s7 =	smul.u32 @!p0 $0xF7A, s2;
	p2 =	seq.s32 @!p0 s5, $0x0  }
0x1f: {  	s9 =	smul.u32 $0xF7A, s1;
	s8 =	simm.s32 @!p0 $0x1BF5;
	p2 =	por !p2, p0  }
0x20: {  	[sflag:s8] =	ssyncset.s32 @!p0 $0xFFFFF086;
	s6 =	sadd.s32 @!p0 s3, s7;
	s7 =	simm.s32 @!p0 $0x108  }
0x21: {  	s3 =	sadd.s32 s3, s9;
	s6 =	sadd.s32 @!p0 $0x88, s6;
	s7 =	simm.s32 @p2 $0x1082  }
0x22: {  	[simem:s7], [sflag:s8] =	dma.local @!p0 [hbm:s6], $0xF7A  }
0x23: {  	s9 =	sor.u32 $0xD0000000, s2;
	s6 =	simm.s32 $0x108;
	_ =	swait.ge @!p0 [sflag:s8], $0x0  }
0x24: {  	s3 =	sadd.s32 $0x88, s3;
	s6 =	simm.s32 @!p1 $0x1082;
	[sflag:s4] =	ssyncset.s32 $0xFFFFF086  }
0x25: {  	[simem:s6], [sflag:s4] =	dma.local [hbm:s3], $0xF7A  }
0x26: {  	[smem:$0x3F9B] =	sst s1;
	(tag) =	ssettag s2;
	_ =	strace s9  }
0x27: {  	s1 =	sld [smem:$0x3FAB]  }
0x28: {  	s2 =	sld [smem:$0x3FAC]  }
0x29: {  	s4 =	sld [smem:$0x3FAE]  }
0x2a: {  	p0 =	seq.s32 s5, $0x0;
	s5 =	sld [smem:$0x3FAF]  }
0x2b: {  	s6 =	sld [smem:$0x3FB0]  }
0x2c: {  	s7 =	sld [smem:$0x3FB1]  }
0x2d: {  	s3 =	simm.s32 $0x108;
	s8 =	sld [smem:$0x3FB2]  }
0x2e: {  	s3 =	simm.s32 @!p0 $0x1082;
	s9 =	sld [smem:$0x3FB3]  }
0x2f: {  	lr =	sadd.s32 s0, s3;
	s0 =	sld [smem:$0x3FAA]  }
0x30: {  	s3 =	sld [smem:$0x3FAD]  }
0x31: {  	[smem:$0x3FB6] =	sst s10  }
0x32: {  	s10 =	sld [smem:$0x3FB4];
	_ =	sdelay $0x3  }
0x33: {  	p0 =	seq.s32 s10, $0x1;
	s10 =	sld [smem:$0x3FB6];
	_ =	sdelay $0x3  }
0x34: {  	[smem:$0x3FB6] =	sst s10  }
0x35: {  	s10 =	sld [smem:$0x3FB5];
	_ =	sdelay $0x3  }
0x36: {  	p1 =	seq.s32 s10, $0x1;
	s10 =	sld [smem:$0x3FB6];
	_ =	sdelay $0x3  }
0x37: {  	[smem:$0x3FB6] =	sst s10  }
0x38: {  	s10 =	sld [smem:$0x3FB7]  }
0x39: {  	_ = 	snop;
	(pc) =	sbr.ind lr, $3  }
0x3a: {  	_ = 	snop  }
0x3b: {  	_ = 	snop  }
0x3c: {  	p2 =	seq.s32 s10, $0x1;
	s10 =	sld [smem:$0x3FB6]  }
0x3d: {  	_ =	shalt  }
0x3e: {  	_ =	shalt  }
0x3f: {  	_ =	shalt  }
0x40: {  	_ =	shalt  }
0x41: {  	_ =	shalt  }
0x42: {  	_ =	shalt  }
0x43: {  	_ =	shalt  }
0x44: {  	_ =	shalt  }
0x45: {  	_ =	shalt  }
0x46: {  	_ =	shalt  }
0x47: {  	_ =	shalt  }
0x48: {  	_ =	shalt  }
0x49: {  	_ =	shalt  }
0x4a: {  	_ =	shalt  }
0x4b: {  	_ =	shalt  }
0x4c: {  	_ =	shalt  }
0x4d: {  	_ =	shalt  }
0x4e: {  	_ =	shalt  }
0x4f: {  	_ =	shalt  }
0x50: {  	_ =	shalt  }
0x51: {  	_ =	shalt  }
0x52: {  	_ =	shalt  }
0x53: {  	_ =	shalt  }
0x54: {  	_ =	shalt  }
0x55: {  	_ =	shalt  }
0x56: {  	_ =	shalt  }
0x57: {  	_ =	shalt  }
0x58: {  	_ =	shalt  }
0x59: {  	_ =	shalt  }
0x5a: {  	_ =	shalt  }
0x5b: {  	_ =	shalt  }
0x5c: {  	_ =	shalt  }
0x5d: {  	_ =	shalt  }
0x5e: {  	_ =	shalt  }
0x5f: {  	_ =	shalt  }
0x60: {  	_ =	shalt  }
0x61: {  	_ =	shalt  }
0x62: {  	_ =	shalt  }
0x63: {  	_ =	shalt  }
0x64: {  	_ =	shalt  }
0x65: {  	_ =	shalt  }
0x66: {  	_ =	shalt  }
0x67: {  	_ =	shalt  }
0x68: {  	_ =	shalt  }
0x69: {  	_ =	shalt  }
0x6a: {  	_ =	shalt  }
0x6b: {  	_ =	shalt  }
0x6c: {  	_ =	shalt  }
0x6d: {  	_ =	shalt  }
0x6e: {  	_ =	shalt  }
0x6f: {  	_ =	shalt  }
0x70: {  	_ =	shalt  }
0x71: {  	_ =	shalt  }
0x72: {  	_ =	shalt  }
0x73: {  	_ =	shalt  }
0x74: {  	_ =	shalt  }
0x75: {  	_ =	shalt  }
0x76: {  	_ =	shalt  }
0x77: {  	_ =	shalt  }
0x78: {  	_ =	shalt  }
0x79: {  	_ =	shalt  }
0x7a: {  	_ =	shalt  }
0x7b: {  	_ =	shalt  }
0x7c: {  	_ =	shalt  }
0x7d: {  	_ =	shalt  }
0x7e: {  	_ =	shalt  }
0x7f: {  	_ =	shalt  }
0x80: {  	_ =	shalt  }
0x81: {  	_ =	shalt  }
0x82: {  	_ =	shalt  }
0x83: {  	_ =	shalt  }
0x84: {  	_ =	shalt  }
0x85: {  	_ =	shalt  }
0x86: {  	_ =	shalt  }
0x87: {  	_ =	shalt  }
.Lfunc_end0:
.L_simem_size_0:
called_computation.2_lowered:
.L_overlay_start_0:
0x88: {  	s2 =	sld [smem:$0x3FD9]  }
0x89: {  	s3 =	sld [smem:$0x3FFE];
	_ =	sdelay $0x1  }
0x8a: {  	s1 =	srdreg.scid  }
0x8b: {  	s0 =	sand.u32 $0x1, s1  }
0x8c: {  	s17 =	sshll.u32 s0, $0xA;
	s2 =	sadd.s32 s3, s2  }
0x8d: {  	s2 =	sadd.s32 s2, s17  }
0x8e: {  	[smem:$0x3FC2] =	sst s2  }
0x8f: {  	_ = 	snop  }
0x90: {  	s2 =	sld [smem:$0x3FD0];
	(tm) =	ssettm $0x1  }
0x91: {  	s18 =	sld [smem:$0x3FFB];
	_ =	sdelay $0x3  }
0x92: {  	_ =	strace s18  }
0x93: {  	s3 =	sld [smem:$0x3FFC];
	_ =	sdelay $0x3  }
0x94: {  	_ =	strace s3  }
0x95: {  	s3 =	sld [smem:$0x3FFD];
	_ =	sdelay $0x3  }
0x96: {  	_ =	strace s3  }
0x97: {  	_ =	strace $0x8FFFFFFF  }
0x98: {  	s19 =	sld [smem:$0x3FDB];
	_ =	sdelay $0x1  }
0x99: {  	s4 =	simm.s32 $_scs_section_size  }
0x9a: {  	s5 =	simm.s32 $_size__tile_overlayer_lowered;
	s6 =	simm.s32 $_tile_overlayer_lowered  }
0x9b: {  	s22 =	simm.s32 $0x1BFF;
	s21 =	sshll.u32 s6, $0x1;
	s3 =	sadd.s32 s4, s19  }
0x9c: {  	s7 =	simm.s32 $0x0;
	s20 =	sshll.u32 s5, $0x1;
	s5 =	sadd.s32 s21, s3  }
0x9d: {  	[timem:s7], [sflag:s22] =	dma.local [hbm:s5], s20  }
0x9e: {  	_ =	swait.ge [sflag:s22], s20  }
0x9f: {  	s4 =	ssub.s32 $0x0, s20;
	[sflag:s22] =	ssyncset.done $0x0  }
0xa0: {  	[sflag:s22] =	ssyncadd.s32 s4;
	_ =	sdelay $0x1  }
0xa1: {  	s23 =	simm.s32 $0x1B8B  }
0xa2: {  	_ =	swait.ge [sflag:s23], $0x1  }
0xa3: {  	[sflag:s23] =	ssyncset.done $0x0  }
0xa4: {  	s25 =	simm.s32 $0x1B8E;
	s24 =	sld [smem:$0x3FFE];
	[sflag:s23] =	ssyncadd.s32 $0xFFFFFFFF  }
0xa5: {  	s26 =	simm.s32 $execute0_lowered;
	[smem:$0x3FD2] =	sst s25  }
0xa6: {  	s5 =	sshll.u32 s26, $0x1;
	_ =	strace $0x8000004C;
	[dreg:$0x1] =	wrdreg $0xFFFFFFFF  }
0xa7: {  	s28 =	simm.s32 $_size_execute0_lowered;
	s3 =	sadd.s32 s3, s5;
	[dreg:$0x0] =	wrdreg $0x0  }
0xa8: {  	s5 =	sshll.u32 s28, $0x1;
	[dreg:$0x2] =	wrdreg s3  }
0xa9: {  	[dreg:$0x3] =	wrdreg s5  }
0xaa: {  	[dreg:$0x4] =	wrdreg $0xC0  }
0xab: {  	_ =	task [dreg:s7], $0x5FFFF  }
0xac: {  	[dreg:$0x1] =	wrdreg $0xFFFFFFFF  }
0xad: {  	[dreg:$0x0] =	wrdreg $0x60  }
0xae: {  	[dreg:$0x2] =	wrdreg s24  }
0xaf: {  	[dreg:$0x3] =	wrdreg s2  }
0xb0: {  	[dreg:$0x4] =	wrdreg $0xA8000  }
0xb1: {  	[dreg:$0x5] =	wrdreg $0x9  }
0xb2: {  	_ =	task.clear_ibuf [dreg:s7], $0x6FFFF;
	_ =	strace $0x9000004C  }
0xb3: {  	s29 =	simm.s32 $0x9;
	_ =	strace $0x8000004E  }
0xb4: {  	_ =	swait.ge [sflag:s29], $0x1  }
0xb5: {  	[sflag:s29] =	ssyncadd.s32 $0xFFFFFFFF  }
0xb6: {  	_ =	strace $0x9000004E  }
0xb7: {  	_ =	sfence  }
0xb8: {  	s30 =	sld [smem:$0x0];
	_ =	sdelay $0x2  }
0xb9: {  	s31 =	sshll.u32 s1, $0xD;
	s1 =	sshrl.u32 s1, $0x2  }
0xba: {  	s3 =	sand.u32 $0x4000, s31;
	s1 =	sadd.s32 s1, s30  }
0xbb: {  	s0 =	sor.u32 s3, s0;
	s1 =	sshll.u32 s1, $0x11  }
0xbc: {  	s0 =	sor.u32 s1, s0  }
0xbd: {  	s0 =	sadd.s32 $0x8F2B, s0  }
0xbe: {  	[sflag:s0] =	ssyncadd.remote.s32 $0x1  }
0xbf: {  	_ =	sfence.sel $0xFFFF  }
0xc0: {  	[dreg:$0x0] =	wrdreg $0xFFFFFFFF;
	(pc) =	sbr.abs _section_cstart, $3  }
0xc1: {  	[dreg:$0x1] =	wrdreg $0xFFFFFFFF  }
0xc2: {  	_ =	task.clear_ibuf [dreg:s7], $0x2FFFF;
	_ =	strace $0x9FFFFFFF  }
0xc3: {  	(tm) =	ssettm $0x7FFFFFFF  }
tec
execute0_lowered:
.L_overlay_start_1:
0x0: {  	(tag) =	ssettag $0x1  }
0x1: {  	s0 =	rddreg [dreg:$0x0]  }
0x2: {  	s1 =	rddreg [dreg:$0x1]  }
0x3: {  	s2 =	rddreg [dreg:$0x2]  }
0x4: {  	s3 =	srdreg.scid;
	s11 =	stileid.u32  }
0x5: {  	s5 =	simm.s32 $0x0;
	s28 =	simm.s32 $0x80;
	s29 =	simm.s32 $0x6800  }
0x6: {  	s30 =	simm.s32 $0x1;
	s31 =	simm.s32 $0x2;
	s3 =	sand.u32 $0x1, s3  }
0x7: {  	s4 =	sshll.u32 s11, $0x1;
	[smem:$0x7FF] =	sst s5;
	s6 =	smul.u32 $0x50000, s11  }
0x8: {  	s8 =	sadd.s32 $0x2600, s0;
	s26 =	smul.u32 $0x14000, s11;
	s23 =	sor.u32 s3, s4  }
0x9: {  	_ =	strace $0x8000004D;
	s9 =	ssub.s32 $0x2, s3;
	s3 =	smul.u32 $0x140000, s3  }
0xa: {  	s4 =	sadd.s32 $0xC600, s0;
	s0 =	sadd.s32 $0x34600, s0;
	s7 =	smul.u32 $0x500, s23  }
0xb: {  	s10 =	smul.u32 $0x2800, s23;
	s24 =	sshrl.u32 s9, $0x1;
	s25 =	sshrl.u32 s6, $0x2  }
0xc: {  	s19 =	sadd.s32 $0x4000, s26;
	s21 =	sadd.s32 $0x8000, s26;
	s23 =	sadd.s32 $0xC000, s26  }
0xd: {  	s6 =	sadd.s32 $0x10000, s26;
	s9 =	ssub.s32 s9, s24;
	s5 =	sadd.s32 s25, s2  }
0xe: {  	s16 =	sadd.s32 s3, s26;
	s20 =	sadd.s32 s3, s19;
	s22 =	sadd.s32 s3, s21  }
0xf: {  	s24 =	sadd.s32 s3, s23;
	s3 =	sadd.s32 s3, s6;
	s25 =	sadd.s32 s23, s2  }
0x10: {  	s26 =	sadd.s32 s6, s2;
	s6 =	simm.s32 $0x2780;
	s14 =	sadd.s32 s8, s7  }
0x11: {  	s10 =	sshrl.u32 s10, $0x3;
	s7 =	sadd.s32 s1, s7;
	s17 =	sshrl.u32 s16, $0x3  }
0x12: {  	s18 =	smax.u32 s9, $0x1;
	s12 =	sadd.s32 $0x4000, s5;
	[dreg:$0x4] =	wrdreg s14  }
0x13: {  	s13 =	sadd.s32 $0x8000, s5;
	s3 =	sshrl.u32 s3, $0x3;
	[dreg:$0x5] =	wrdreg s7  }
0x14: {  	s15 =	sadd.s32 $0x280, s10;
	[dreg:$0x9] =	wrdreg s18;
	s14 =	sadd.s32 $0xC000, s5  }
0x15: {  	s7 =	sshrl.u32 s20, $0x3;
	s20 =	simm.s32 $0x2800;
	s8 =	sadd.s32 s8, s15  }
0x16: {  	s1 =	sadd.s32 s1, s15;
	s15 =	sadd.s32 $0x10000, s5;
	[dreg:$0x6] =	wrdreg s8  }
0x17: {  	s16 =	sadd.s32 s0, s7;
	s7 =	sshrl.u32 s22, $0x3;
	[dreg:$0x7] =	wrdreg s1  }
0x18: {  	s1 =	sadd.s32 s0, s17;
	s17 =	sadd.s32 s0, s7;
	s8 =	sadd.s32 s21, s2  }
0x19: {  	s7 =	sshrl.u32 s24, $0x3;
	s21 =	simm.s32 $0x5;
	s24 =	sshrl.u32 s25, $0x3  }
0x1a: {  	s25 =	sshrl.u32 s26, $0x3;
	s26 =	simm.s32 $0x1400;
	[dreg:$0x8] =	wrdreg s1  }
0x1b: {  	s1 =	sadd.s32 s19, s2;
	s18 =	sadd.s32 s0, s7;
	s19 =	sadd.s32 s0, s3  }
0x1c: {  	s23 =	sshrl.u32 s8, $0x3;
	s0 =	simm.s32 $0x3;
	s3 =	simm.s32 $0x2700  }
0x1d: {  	v0 =	vimm.f32 $0.0e+00;
	s7 =	simm.s32 $0x0;
	s22 =	sshrl.u32 s1, $0x3;
	s1 =	simm.s32 $0x4  }
.LBB2_1:
0x1e: {  	s9 =	simm.s32 $0x0  }
0x1f: {  	s8 =	sand.u32 $0xFE00, s9  }
0x20: {  	s9 =	sand.u32 $0x70, s9;
	s10 =	sshrl.u32 s8, $0x2  }
0x21: {  	s8 =	simm.s32 $0x40;
	s10 =	sor.u32 s9, s10;
	s9 =	simm.s32 $0x0  }
.LBB2_2:
0x22: {  	p0 =	sne.s32 s8, $0xFFC0  }
0x23: {  	[tilespmem:s10+$0x2800] =	vst v0;
	s9 =	sadd.s32 $0x10, s9;
	s10 =	smov.u32 s8;
	s8 =	sadd.s32 $0x40, s8  }
.Ltmp0:
0x24: {  	(pc) =	sbr.rel @p0 .LBB2_2-.Ltmp0, $4  }
0x25: {  	_ = 	snop  }
0x26: {  	s10 =	sand.u32 $0xFE00, s10  }
0x27: {  	s11 =	sand.u32 $0x70, s9;
	s10 =	sshrl.u32 s10, $0x2  }
0x28: {  	s10 =	sor.u32 s11, s10  }
0x29: {  	[tilespmem:s10+$0x2800] =	vst v0  }
0x2a: {  	[spmem:s5] =	stream.linear.scatter [tilespmem:s20], [sflag:$0x5], $0x4000, $0x38;
	[tilespmem:$0x1E800] =	vst v63  }
0x2b: {  	_ =	swait.ge [sflag:s21], $0x4000  }
0x2c: {  	[sflag:s21] =	ssyncset.done $0x0  }
0x2d: {  	[sflag:s21] =	ssyncadd.s32 $0xFFFFC000  }
0x2e: {  	[spmem:s12] =	stream.linear.scatter [tilespmem:s20], [sflag:$0x5], $0x4000, $0x38;
	[tilespmem:$0x1E800] =	vst v63  }
0x2f: {  	_ =	swait.ge [sflag:s21], $0x4000  }
0x30: {  	[sflag:s21] =	ssyncset.done $0x0  }
0x31: {  	[sflag:s21] =	ssyncadd.s32 $0xFFFFC000  }
0x32: {  	[spmem:s13] =	stream.linear.scatter [tilespmem:s20], [sflag:$0x5], $0x4000, $0x38;
	[tilespmem:$0x1E800] =	vst v63  }
0x33: {  	_ =	swait.ge [sflag:s21], $0x4000  }
0x34: {  	[sflag:s21] =	ssyncset.done $0x0  }
0x35: {  	[sflag:s21] =	ssyncadd.s32 $0xFFFFC000  }
0x36: {  	[spmem:s14] =	stream.linear.scatter [tilespmem:s20], [sflag:$0x5], $0x4000, $0x38;
	[tilespmem:$0x1E800] =	vst v63  }
0x37: {  	_ =	swait.ge [sflag:s21], $0x4000  }
0x38: {  	[sflag:s21] =	ssyncset.done $0x0  }
0x39: {  	[sflag:s21] =	ssyncadd.s32 $0xFFFFC000  }
0x3a: {  	[spmem:s15] =	stream.linear.scatter [tilespmem:s20], [sflag:$0x5], $0x4000, $0x38;
	[tilespmem:$0x1E800] =	vst v63  }
0x3b: {  	_ =	swait.ge [sflag:s21], $0x4000  }
0x3c: {  	[sflag:s21] =	ssyncset.done $0x0  }
0x3d: {  	[sflag:s21] =	ssyncadd.s32 $0xFFFFC000  }
0x3e: {  	[bflag:$0x0] =	sbarrier.arrive $0xFFFF  }
0x3f: {  	s8 =	simm.s32 $0x0;
	s9 =	rddreg [dreg:$0x4]  }
0x40: {  	[tilespmem:s8], [sflag:$0x5] =	stream.linear.gather [hbm4b:s9+s8], $0x1400, $0x38;
	[tilespmem:$0x1E800] =	vst v63  }
0x41: {  	_ =	swait.ge [sflag:s21], $0x1400  }
0x42: {  	[sflag:s21] =	ssyncset.done $0x0  }
0x43: {  	s11 =	rddreg [dreg:$0x5];
	[sflag:s21] =	ssyncadd.s32 $0xFFFFEC00  }
0x44: {  	[tilespmem:s26], [sflag:$0x5] =	stream.linear.gather [hbm4b:s11+s8], $0x1400, $0x38;
	[tilespmem:$0x1E800] =	vst v63  }
0x45: {  	_ =	swait.ge [sflag:s21], $0x1400  }
0x46: {  	[sflag:s21] =	ssyncset.done $0x0  }
0x47: {  	[sflag:s21] =	ssyncadd.s32 $0xFFFFEC00  }
0x48: {  	[tilespmem:s20], [sflag:$0x1] =	stream.indirect.gather [hbm4b:s4+s28], $0x80, s8, s28, $0xb8;
	[tilespmem:$0x1E800] =	vst v63  }
0x49: {  	_ = 	snop  }
0x4a: {  	[tilespmem:s29], [sflag:$0x2] =	stream.indirect.gather [hbm4b:s4+s28], $0x80, s28, s28, $0xb8;
	[tilespmem:$0x1E800] =	vst v63  }
0x4b: {  	_ =	swait.ge [sflag:s30], $0x4000  }
0x4c: {  	[sflag:s30] =	ssyncset.done $0x0  }
0x4d: {  	s9 =	simm.s32 $0x1400;
	[sflag:s30] =	ssyncadd.s32 $0xFFFFC000  }
0x4e: {  	[spmem:s2] =	stream.indirect.scatter.add.f32 [tilespmem:s20], [sflag:$0x3], $0x80, s9, s28, $0xb8;
	[tilespmem:$0x1E800] =	vst v63  }
0x4f: {  	_ =	swait.ge [sflag:s31], $0x4000  }
0x50: {  	[sflag:s31] =	ssyncset.done $0x0  }
0x51: {  	s10 =	simm.s32 $0x1480;
	[sflag:s31] =	ssyncadd.s32 $0xFFFFC000  }
0x52: {  	[spmem:s2] =	stream.indirect.scatter.add.f32 [tilespmem:s29], [sflag:$0x4], $0x80, s10, s28, $0xb8;
	[tilespmem:$0x1E800] =	vst v63  }
0x53: {  	_ =	swait.ge [sflag:s0], $0x4000  }
0x54: {  	[sflag:s0] =	ssyncset.done $0x0  }
0x55: {  	s11 =	simm.s32 $0x100;
	[sflag:s0] =	ssyncadd.s32 $0xFFFFC000  }
0x56: {  	[tilespmem:s20], [sflag:$0x1] =	stream.indirect.gather [hbm4b:s4+s28], $0x80, s11, s28, $0xb8;
	[tilespmem:$0x1E800] =	vst v63  }
0x57: {  	_ =	swait.ge [sflag:s1], $0x4000  }
0x58: {  	[sflag:s1] =	ssyncset.done $0x0  }
0x59: {  	s8 =	simm.s32 $0x400;
	s9 =	simm.s32 $0x180;
	[sflag:s1] =	ssyncadd.s32 $0xFFFFC000  }
.LBB2_4:
0x5a: {  	[tilespmem:s29], [sflag:$0x2] =	stream.indirect.gather [hbm4b:s4+s28], $0x80, s9, s28, $0xb8;
	[tilespmem:$0x1E800] =	vst v63  }
0x5b: {  	s9 =	smov.u32 s8  }
0x5c: {  	p0 =	sne.s32 s8, $0x4800;
	s8 =	sadd.s32 $0x400, s8;
	_ =	swait.ge [sflag:s30], $0x4000  }
0x5d: {  	s9 =	sshra.s32 s9, $0x2;
	[sflag:s30] =	ssyncset.done $0x0  }
0x5e: {  	s10 =	sadd.s32 $0x1400, s9;
	[sflag:s30] =	ssyncadd.s32 $0xFFFFC000  }
0x5f: {  	[spmem:s2] =	stream.indirect.scatter.add.f32 [tilespmem:s20], [sflag:$0x3], $0x80, s10, s28, $0xb8;
	[tilespmem:$0x1E800] =	vst v63  }
0x60: {  	_ =	swait.ge [sflag:s31], $0x4000  }
0x61: {  	[sflag:s31] =	ssyncset.done $0x0  }
0x62: {  	s10 =	sadd.s32 $0x1480, s9;
	[sflag:s31] =	ssyncadd.s32 $0xFFFFC000  }
0x63: {  	[spmem:s2] =	stream.indirect.scatter.add.f32 [tilespmem:s29], [sflag:$0x4], $0x80, s10, s28, $0xb8;
	[tilespmem:$0x1E800] =	vst v63  }
0x64: {  	_ =	swait.ge [sflag:s0], $0x4000  }
0x65: {  	[sflag:s0] =	ssyncset.done $0x0  }
.Ltmp1:
0x66: {  	s10 =	sadd.s32 $0x100, s9;
	[sflag:s0] =	ssyncadd.s32 $0xFFFFC000;
	(pc) =	sbr.rel @p0 .LBB2_4-.Ltmp1, $4  }
0x67: {  	[tilespmem:s20], [sflag:$0x1] =	stream.indirect.gather [hbm4b:s4+s28], $0x80, s10, s28, $0xb8;
	[tilespmem:$0x1E800] =	vst v63  }
0x68: {  	_ =	swait.ge [sflag:s1], $0x4000  }
0x69: {  	[sflag:s1] =	ssyncset.done $0x0  }
0x6a: {  	s9 =	sadd.s32 $0x180, s9;
	[sflag:s1] =	ssyncadd.s32 $0xFFFFC000  }
0x6b: {  	[tilespmem:s29], [sflag:$0x2] =	stream.indirect.gather [hbm4b:s4+s28], $0x80, s9, s28, $0xb8;
	[tilespmem:$0x1E800] =	vst v63  }
0x6c: {  	_ =	swait.ge [sflag:s30], $0x4000  }
0x6d: {  	[sflag:s30] =	ssyncset.done $0x0  }
0x6e: {  	[sflag:s30] =	ssyncadd.s32 $0xFFFFC000  }
0x6f: {  	[spmem:s2] =	stream.indirect.scatter.add.f32 [tilespmem:s20], [sflag:$0x3], $0x80, s3, s28, $0xb8;
	[tilespmem:$0x1E800] =	vst v63  }
0x70: {  	_ =	swait.ge [sflag:s31], $0x4000  }
0x71: {  	[sflag:s31] =	ssyncset.done $0x0  }
0x72: {  	[sflag:s31] =	ssyncadd.s32 $0xFFFFC000  }
0x73: {  	[spmem:s2] =	stream.indirect.scatter.add.f32 [tilespmem:s29], [sflag:$0x4], $0x80, s6, s28, $0xb8;
	[tilespmem:$0x1E800] =	vst v63  }
0x74: {  	_ =	swait.ge [sflag:s0], $0x4000  }
0x75: {  	[sflag:s0] =	ssyncset.done $0x0  }
0x76: {  	[sflag:s0] =	ssyncadd.s32 $0xFFFFC000  }
0x77: {  	_ =	swait.ge [sflag:s1], $0x4000  }
0x78: {  	[sflag:s1] =	ssyncset.done $0x0  }
0x79: {  	s8 =	simm.s32 $0x0;
	s10 =	rddreg [dreg:$0x6];
	[sflag:s1] =	ssyncadd.s32 $0xFFFFC000  }
0x7a: {  	[tilespmem:s8], [sflag:$0x5] =	stream.linear.gather [hbm4b:s10+s8], $0x1400, $0x38;
	[tilespmem:$0x1E800] =	vst v63  }
0x7b: {  	_ =	swait.ge [sflag:s21], $0x1400  }
0x7c: {  	[sflag:s21] =	ssyncset.done $0x0  }
0x7d: {  	s11 =	rddreg [dreg:$0x7];
	[sflag:s21] =	ssyncadd.s32 $0xFFFFEC00  }
0x7e: {  	[tilespmem:s26], [sflag:$0x5] =	stream.linear.gather [hbm4b:s11+s8], $0x1400, $0x38;
	[tilespmem:$0x1E800] =	vst v63  }
0x7f: {  	_ =	swait.ge [sflag:s21], $0x1400  }
0x80: {  	[sflag:s21] =	ssyncset.done $0x0  }
0x81: {  	[sflag:s21] =	ssyncadd.s32 $0xFFFFEC00  }
0x82: {  	[tilespmem:s20], [sflag:$0x1] =	stream.indirect.gather [hbm4b:s4+s28], $0x80, s8, s28, $0xb8;
	[tilespmem:$0x1E800] =	vst v63  }
0x83: {  	_ = 	snop  }
0x84: {  	[tilespmem:s29], [sflag:$0x2] =	stream.indirect.gather [hbm4b:s4+s28], $0x80, s28, s28, $0xb8;
	[tilespmem:$0x1E800] =	vst v63  }
0x85: {  	_ =	swait.ge [sflag:s30], $0x4000  }
0x86: {  	[sflag:s30] =	ssyncset.done $0x0  }
0x87: {  	s9 =	simm.s32 $0x1400;
	[sflag:s30] =	ssyncadd.s32 $0xFFFFC000  }
0x88: {  	[spmem:s2] =	stream.indirect.scatter.add.f32 [tilespmem:s20], [sflag:$0x3], $0x80, s9, s28, $0xb8;
	[tilespmem:$0x1E800] =	vst v63  }
0x89: {  	_ =	swait.ge [sflag:s31], $0x4000  }
0x8a: {  	[sflag:s31] =	ssyncset.done $0x0  }
0x8b: {  	s10 =	simm.s32 $0x1480;
	[sflag:s31] =	ssyncadd.s32 $0xFFFFC000  }
0x8c: {  	[spmem:s2] =	stream.indirect.scatter.add.f32 [tilespmem:s29], [sflag:$0x4], $0x80, s10, s28, $0xb8;
	[tilespmem:$0x1E800] =	vst v63  }
0x8d: {  	_ =	swait.ge [sflag:s0], $0x4000  }
0x8e: {  	[sflag:s0] =	ssyncset.done $0x0  }
0x8f: {  	s11 =	simm.s32 $0x100;
	[sflag:s0] =	ssyncadd.s32 $0xFFFFC000  }
0x90: {  	[tilespmem:s20], [sflag:$0x1] =	stream.indirect.gather [hbm4b:s4+s28], $0x80, s11, s28, $0xb8;
	[tilespmem:$0x1E800] =	vst v63  }
0x91: {  	_ =	swait.ge [sflag:s1], $0x4000  }
0x92: {  	[sflag:s1] =	ssyncset.done $0x0  }
0x93: {  	s8 =	simm.s32 $0x400;
	s9 =	simm.s32 $0x180;
	[sflag:s1] =	ssyncadd.s32 $0xFFFFC000  }
.LBB2_6:
0x94: {  	[tilespmem:s29], [sflag:$0x2] =	stream.indirect.gather [hbm4b:s4+s28], $0x80, s9, s28, $0xb8;
	[tilespmem:$0x1E800] =	vst v63  }
0x95: {  	s9 =	smov.u32 s8  }
0x96: {  	p0 =	sne.s32 s8, $0x4800;
	s8 =	sadd.s32 $0x400, s8;
	_ =	swait.ge [sflag:s30], $0x4000  }
0x97: {  	s9 =	sshra.s32 s9, $0x2;
	[sflag:s30] =	ssyncset.done $0x0  }
0x98: {  	s10 =	sadd.s32 $0x1400, s9;
	[sflag:s30] =	ssyncadd.s32 $0xFFFFC000  }
0x99: {  	[spmem:s2] =	stream.indirect.scatter.add.f32 [tilespmem:s20], [sflag:$0x3], $0x80, s10, s28, $0xb8;
	[tilespmem:$0x1E800] =	vst v63  }
0x9a: {  	_ =	swait.ge [sflag:s31], $0x4000  }
0x9b: {  	[sflag:s31] =	ssyncset.done $0x0  }
0x9c: {  	s10 =	sadd.s32 $0x1480, s9;
	[sflag:s31] =	ssyncadd.s32 $0xFFFFC000  }
0x9d: {  	[spmem:s2] =	stream.indirect.scatter.add.f32 [tilespmem:s29], [sflag:$0x4], $0x80, s10, s28, $0xb8;
	[tilespmem:$0x1E800] =	vst v63  }
0x9e: {  	_ =	swait.ge [sflag:s0], $0x4000  }
0x9f: {  	[sflag:s0] =	ssyncset.done $0x0  }
.Ltmp2:
0xa0: {  	s10 =	sadd.s32 $0x100, s9;
	[sflag:s0] =	ssyncadd.s32 $0xFFFFC000;
	(pc) =	sbr.rel @p0 .LBB2_6-.Ltmp2, $4  }
0xa1: {  	[tilespmem:s20], [sflag:$0x1] =	stream.indirect.gather [hbm4b:s4+s28], $0x80, s10, s28, $0xb8;
	[tilespmem:$0x1E800] =	vst v63  }
0xa2: {  	_ =	swait.ge [sflag:s1], $0x4000  }
0xa3: {  	[sflag:s1] =	ssyncset.done $0x0  }
0xa4: {  	s9 =	sadd.s32 $0x180, s9;
	[sflag:s1] =	ssyncadd.s32 $0xFFFFC000  }
0xa5: {  	[tilespmem:s29], [sflag:$0x2] =	stream.indirect.gather [hbm4b:s4+s28], $0x80, s9, s28, $0xb8;
	[tilespmem:$0x1E800] =	vst v63  }
0xa6: {  	_ =	swait.ge [sflag:s30], $0x4000  }
0xa7: {  	[sflag:s30] =	ssyncset.done $0x0  }
0xa8: {  	[sflag:s30] =	ssyncadd.s32 $0xFFFFC000  }
0xa9: {  	[spmem:s2] =	stream.indirect.scatter.add.f32 [tilespmem:s20], [sflag:$0x3], $0x80, s3, s28, $0xb8;
	[tilespmem:$0x1E800] =	vst v63  }
0xaa: {  	_ =	swait.ge [sflag:s31], $0x4000  }
0xab: {  	[sflag:s31] =	ssyncset.done $0x0  }
0xac: {  	[sflag:s31] =	ssyncadd.s32 $0xFFFFC000  }
0xad: {  	[spmem:s2] =	stream.indirect.scatter.add.f32 [tilespmem:s29], [sflag:$0x4], $0x80, s6, s28, $0xb8;
	[tilespmem:$0x1E800] =	vst v63  }
0xae: {  	_ =	swait.ge [sflag:s0], $0x4000  }
0xaf: {  	[sflag:s0] =	ssyncset.done $0x0  }
0xb0: {  	[sflag:s0] =	ssyncadd.s32 $0xFFFFC000  }
0xb1: {  	_ =	swait.ge [sflag:s1], $0x4000  }
0xb2: {  	[sflag:s1] =	ssyncset.done $0x0  }
0xb3: {  	s8 =	stileid.u32;
	[sflag:s1] =	ssyncadd.s32 $0xFFFFC000  }
0xb4: {  	s8 =	sshll.u32 s8, $0x6;
	[bflag:$0x0] =	sbarrier.arrive $0xFFFF  }
0xb5: {  	s11 =	sshrl.u32 s5, $0x3;
	s8 =	sor.u32 $0x1C05, s8;
	s10 =	rddreg [dreg:$0x8]  }
0xb6: {  	[hbm:s10], [sflag:s8] =	dma.local [spmem:s11], $0x800  }
0xb7: {  	_ =	swait.ge [sflag:s21], $0x800  }
0xb8: {  	[sflag:s21] =	ssyncset.done $0x0  }
0xb9: {  	[sflag:s21] =	ssyncadd.s32 $0xFFFFF800  }
0xba: {  	[hbm:s16], [sflag:s8] =	dma.local [spmem:s22], $0x800  }
0xbb: {  	_ =	swait.ge [sflag:s21], $0x800  }
0xbc: {  	[sflag:s21] =	ssyncset.done $0x0  }
0xbd: {  	[sflag:s21] =	ssyncadd.s32 $0xFFFFF800  }
0xbe: {  	[hbm:s17], [sflag:s8] =	dma.local [spmem:s23], $0x800  }
0xbf: {  	_ =	swait.ge [sflag:s21], $0x800  }
0xc0: {  	[sflag:s21] =	ssyncset.done $0x0  }
0xc1: {  	[sflag:s21] =	ssyncadd.s32 $0xFFFFF800  }
0xc2: {  	[hbm:s18], [sflag:s8] =	dma.local [spmem:s24], $0x800  }
0xc3: {  	_ =	swait.ge [sflag:s21], $0x800  }
0xc4: {  	[sflag:s21] =	ssyncset.done $0x0  }
0xc5: {  	[sflag:s21] =	ssyncadd.s32 $0xFFFFF800  }
0xc6: {  	[hbm:s19], [sflag:s8] =	dma.local [spmem:s25], $0x800  }
0xc7: {  	_ =	swait.ge [sflag:s21], $0x800  }
0xc8: {  	s7 =	sadd.s32 $0x1, s7;
	s11 =	rddreg [dreg:$0x9]  }
0xc9: {  	p0 =	sne.s32 s7, s11  }
.Ltmp3:
0xca: {  	_ = 	snop;
	(pc) =	sbr.rel @p0 .LBB2_1-.Ltmp3, $3  }
0xcb: {  	_ =	sdelay $0x1  }
0xcc: {  	[sflag:s21] =	ssyncset.done $0x0  }
0xcd: {  	[sflag:s21] =	ssyncadd.s32 $0xFFFFF800  }
0xce: {  	_ =	sfence.sel $0x180000  }
0xcf: {  	[bflag:$0x0] =	sbarrier.arrive $0xFFFF  }
0xd0: {  	_ =	strace $0x9000004D  }
0xd1: {  	s0 =	stileid.u32;
	[bflag:$0x2] =	sbarrier.arrive $0xFFFF  }
0xd2: {  	p0 =	sne.s32 s0, $0x0;
	s0 =	rddreg [dreg:$0x3]  }
0xd3: {  	s0 =	sadd.s32 @!p0 $0x100000, s0  }
0xd4: {  	[sflag:s0] =	ssyncadd.tile.s32 @!p0 $0x1;
	_ =	shalt  }
.Lfunc_end2:
_tile_overlayer_lowered:
.L_overlay_start_2:
0xd5: {  	(tag) =	ssettag $0x2  }
0xd6: {  	s0 =	rddreg [dreg:$0x0];
	s2 =	stileid.u32  }
0xd7: {  	s1 =	rddreg [dreg:$0x1];
	p0 =	sne.s32 s2, $0x0  }
0xd8: {  	s3 =	rddreg [dreg:$0x2];
	[bflag:$0x3] =	sbarrier.arrive $0xFFFF;
	s2 =	simm.s32 @!p0 $0x1C05  }
0xd9: {  	[timem:s3], [sflag:s2] =	dma.local @!p0 [hbm:s0], s1  }
0xda: {  	s0 =	simm.s32 @!p0 $0x5  }
0xdb: {  	_ =	swait.ge @!p0 [sflag:s0], s1  }
0xdc: {  	s1 =	ssub.s32 @!p0 $0x0, s1;
	[sflag:s0] =	ssyncset.done @!p0 $0x0  }
0xdd: {  	[sflag:s0] =	ssyncadd.s32 @!p0 s1  }
0xde: {  	[bflag:$0x3] =	sbarrier.arrive $0xFFFF  }
0xdf: {  	_ =	shalt  }

// kernel: _impl.9.cloned.1.call-start
scs
__scs_entry_jumppad:
0x0: {  	(pc) =	sbr.rel $0x88, $3  }
0x1: {  	(tag) =	ssettag $0x0;
	lr =	simm.s32 $0x1  }
0x2: {  	[smem:$0x3F9B] =	sst lr;
	_ =	strace $0xD0000000  }
0x3: {  	_ = 	snop  }
0x4: {  	_ = 	snop  }
0x5: {  	_ = 	snop  }
0x6: {  	_ = 	snop  }
0x7: {  	_ = 	snop  }
__scs_overlays_trampoline_lowered:
0x8: {  	[smem:$0x3FAA] =	sst s0  }
0x9: {  	[smem:$0x3FAB] =	sst s1  }
0xa: {  	[smem:$0x3FAC] =	sst s2  }
0xb: {  	[smem:$0x3FAD] =	sst s3  }
0xc: {  	[smem:$0x3FAE] =	sst s4  }
0xd: {  	[smem:$0x3FAF] =	sst s5  }
0xe: {  	[smem:$0x3FB0] =	sst s6  }
0xf: {  	[smem:$0x3FB1] =	sst s7  }
0x10: {  	[smem:$0x3FB2] =	sst s8  }
0x11: {  	[smem:$0x3FB3] =	sst s9;
	s0 =	simm.s32 @!p0 $0x0  }
0x12: {  	s1 =	sld [smem:$0x3F99];
	s0 =	simm.s32 @p0 $0x1  }
0x13: {  	[smem:$0x3FB4] =	sst s0;
	s0 =	simm.s32 @!p1 $0x0  }
0x14: {  	s2 =	sld [smem:$0x3F98];
	s0 =	simm.s32 @p1 $0x1  }
0x15: {  	[smem:$0x3FB5] =	sst s0;
	s0 =	simm.s32 @!p2 $0x0  }
0x16: {  	s3 =	sld [smem:$0x3FDB];
	s0 =	simm.s32 @p2 $0x1  }
0x17: {  	s4 =	simm.s32 $0x1BF5;
	[smem:$0x3FB7] =	sst s0  }
0x18: {  	s0 =	sld [smem:$0x3F9A];
	_ =	swait.ge [sflag:s4], $0x0  }
0x19: {  	s7 =	sld [smem:$0x3F9B]  }
0x1a: {  	s8 =	sadd.s32 $0xFFFFE003, lr  }
0x1b: {  	s9 =	sadd.s32 $0xFFFFFEF7, lr;
	s5 =	simm.s32 $0xFFFFFFFF;
	p2 =	slt.u32 s8, $0xFFFFF086  }
0x1c: {  	p1 =	slt.u32 s9, $0xF7A;
	s5 =	simm.s32 @!p2 $0x0  }
0x1d: {  	s5 =	simm.s32 @p1 $0x1;
	p0 =	seq.s32 s7, s2  }
0x1e: {  	s7 =	smul.u32 @!p0 $0xF7A, s2;
	p2 =	seq.s32 @!p0 s5, $0x0  }
0x1f: {  	s9 =	smul.u32 $0xF7A, s1;
	s8 =	simm.s32 @!p0 $0x1BF5;
	p2 =	por !p2, p0  }
0x20: {  	[sflag:s8] =	ssyncset.s32 @!p0 $0xFFFFF086;
	s6 =	sadd.s32 @!p0 s3, s7;
	s7 =	simm.s32 @!p0 $0x108  }
0x21: {  	s3 =	sadd.s32 s3, s9;
	s6 =	sadd.s32 @!p0 $0x88, s6;
	s7 =	simm.s32 @p2 $0x1082  }
0x22: {  	[simem:s7], [sflag:s8] =	dma.local @!p0 [hbm:s6], $0xF7A  }
0x23: {  	s9 =	sor.u32 $0xD0000000, s2;
	s6 =	simm.s32 $0x108;
	_ =	swait.ge @!p0 [sflag:s8], $0x0  }
0x24: {  	s3 =	sadd.s32 $0x88, s3;
	s6 =	simm.s32 @!p1 $0x1082;
	[sflag:s4] =	ssyncset.s32 $0xFFFFF086  }
0x25: {  	[simem:s6], [sflag:s4] =	dma.local [hbm:s3], $0xF7A  }
0x26: {  	[smem:$0x3F9B] =	sst s1;
	(tag) =	ssettag s2;
	_ =	strace s9  }
0x27: {  	s1 =	sld [smem:$0x3FAB]  }
0x28: {  	s2 =	sld [smem:$0x3FAC]  }
0x29: {  	s4 =	sld [smem:$0x3FAE]  }
0x2a: {  	p0 =	seq.s32 s5, $0x0;
	s5 =	sld [smem:$0x3FAF]  }
0x2b: {  	s6 =	sld [smem:$0x3FB0]  }
0x2c: {  	s7 =	sld [smem:$0x3FB1]  }
0x2d: {  	s3 =	simm.s32 $0x108;
	s8 =	sld [smem:$0x3FB2]  }
0x2e: {  	s3 =	simm.s32 @!p0 $0x1082;
	s9 =	sld [smem:$0x3FB3]  }
0x2f: {  	lr =	sadd.s32 s0, s3;
	s0 =	sld [smem:$0x3FAA]  }
0x30: {  	s3 =	sld [smem:$0x3FAD]  }
0x31: {  	[smem:$0x3FB6] =	sst s10  }
0x32: {  	s10 =	sld [smem:$0x3FB4];
	_ =	sdelay $0x3  }
0x33: {  	p0 =	seq.s32 s10, $0x1;
	s10 =	sld [smem:$0x3FB6];
	_ =	sdelay $0x3  }
0x34: {  	[smem:$0x3FB6] =	sst s10  }
0x35: {  	s10 =	sld [smem:$0x3FB5];
	_ =	sdelay $0x3  }
0x36: {  	p1 =	seq.s32 s10, $0x1;
	s10 =	sld [smem:$0x3FB6];
	_ =	sdelay $0x3  }
0x37: {  	[smem:$0x3FB6] =	sst s10  }
0x38: {  	s10 =	sld [smem:$0x3FB7]  }
0x39: {  	_ = 	snop;
	(pc) =	sbr.ind lr, $3  }
0x3a: {  	_ = 	snop  }
0x3b: {  	_ = 	snop  }
0x3c: {  	p2 =	seq.s32 s10, $0x1;
	s10 =	sld [smem:$0x3FB6]  }
0x3d: {  	_ =	shalt  }
0x3e: {  	_ =	shalt  }
0x3f: {  	_ =	shalt  }
0x40: {  	_ =	shalt  }
0x41: {  	_ =	shalt  }
0x42: {  	_ =	shalt  }
0x43: {  	_ =	shalt  }
0x44: {  	_ =	shalt  }
0x45: {  	_ =	shalt  }
0x46: {  	_ =	shalt  }
0x47: {  	_ =	shalt  }
0x48: {  	_ =	shalt  }
0x49: {  	_ =	shalt  }
0x4a: {  	_ =	shalt  }
0x4b: {  	_ =	shalt  }
0x4c: {  	_ =	shalt  }
0x4d: {  	_ =	shalt  }
0x4e: {  	_ =	shalt  }
0x4f: {  	_ =	shalt  }
0x50: {  	_ =	shalt  }
0x51: {  	_ =	shalt  }
0x52: {  	_ =	shalt  }
0x53: {  	_ =	shalt  }
0x54: {  	_ =	shalt  }
0x55: {  	_ =	shalt  }
0x56: {  	_ =	shalt  }
0x57: {  	_ =	shalt  }
0x58: {  	_ =	shalt  }
0x59: {  	_ =	shalt  }
0x5a: {  	_ =	shalt  }
0x5b: {  	_ =	shalt  }
0x5c: {  	_ =	shalt  }
0x5d: {  	_ =	shalt  }
0x5e: {  	_ =	shalt  }
0x5f: {  	_ =	shalt  }
0x60: {  	_ =	shalt  }
0x61: {  	_ =	shalt  }
0x62: {  	_ =	shalt  }
0x63: {  	_ =	shalt  }
0x64: {  	_ =	shalt  }
0x65: {  	_ =	shalt  }
0x66: {  	_ =	shalt  }
0x67: {  	_ =	shalt  }
0x68: {  	_ =	shalt  }
0x69: {  	_ =	shalt  }
0x6a: {  	_ =	shalt  }
0x6b: {  	_ =	shalt  }
0x6c: {  	_ =	shalt  }
0x6d: {  	_ =	shalt  }
0x6e: {  	_ =	shalt  }
0x6f: {  	_ =	shalt  }
0x70: {  	_ =	shalt  }
0x71: {  	_ =	shalt  }
0x72: {  	_ =	shalt  }
0x73: {  	_ =	shalt  }
0x74: {  	_ =	shalt  }
0x75: {  	_ =	shalt  }
0x76: {  	_ =	shalt  }
0x77: {  	_ =	shalt  }
0x78: {  	_ =	shalt  }
0x79: {  	_ =	shalt  }
0x7a: {  	_ =	shalt  }
0x7b: {  	_ =	shalt  }
0x7c: {  	_ =	shalt  }
0x7d: {  	_ =	shalt  }
0x7e: {  	_ =	shalt  }
0x7f: {  	_ =	shalt  }
0x80: {  	_ =	shalt  }
0x81: {  	_ =	shalt  }
0x82: {  	_ =	shalt  }
0x83: {  	_ =	shalt  }
0x84: {  	_ =	shalt  }
0x85: {  	_ =	shalt  }
0x86: {  	_ =	shalt  }
0x87: {  	_ =	shalt  }
.Lfunc_end0:
.L_simem_size_0:
called_computation_lowered:
.L_overlay_start_0:
0x88: {  	s2 =	sld [smem:$0x3FD9]  }
0x89: {  	s3 =	sld [smem:$0x3FFE];
	_ =	sdelay $0x1  }
0x8a: {  	s1 =	srdreg.scid  }
0x8b: {  	s0 =	sand.u32 $0x1, s1  }
0x8c: {  	s17 =	sshll.u32 s0, $0xA;
	s2 =	sadd.s32 s3, s2  }
0x8d: {  	s2 =	sadd.s32 s2, s17  }
0x8e: {  	[smem:$0x3FC2] =	sst s2  }
0x8f: {  	_ = 	snop  }
0x90: {  	s2 =	sld [smem:$0x3FD0];
	(tm) =	ssettm $0x1  }
0x91: {  	s18 =	sld [smem:$0x3FFB];
	_ =	sdelay $0x3  }
0x92: {  	_ =	strace s18  }
0x93: {  	s3 =	sld [smem:$0x3FFC];
	_ =	sdelay $0x3  }
0x94: {  	_ =	strace s3  }
0x95: {  	s3 =	sld [smem:$0x3FFD];
	_ =	sdelay $0x3  }
0x96: {  	_ =	strace s3  }
0x97: {  	_ =	strace $0x8FFFFFFF  }
0x98: {  	s19 =	sld [smem:$0x3FDB];
	_ =	sdelay $0x1  }
0x99: {  	s4 =	simm.s32 $_scs_section_size  }
0x9a: {  	s5 =	simm.s32 $_size__tile_overlayer_lowered;
	s6 =	simm.s32 $_tile_overlayer_lowered  }
0x9b: {  	s22 =	simm.s32 $0x1BFF;
	s21 =	sshll.u32 s6, $0x1;
	s3 =	sadd.s32 s4, s19  }
0x9c: {  	s7 =	simm.s32 $0x0;
	s20 =	sshll.u32 s5, $0x1;
	s5 =	sadd.s32 s21, s3  }
0x9d: {  	[timem:s7], [sflag:s22] =	dma.local [hbm:s5], s20  }
0x9e: {  	_ =	swait.ge [sflag:s22], s20  }
0x9f: {  	s4 =	ssub.s32 $0x0, s20;
	[sflag:s22] =	ssyncset.done $0x0  }
0xa0: {  	[sflag:s22] =	ssyncadd.s32 s4;
	_ =	sdelay $0x1  }
0xa1: {  	s23 =	simm.s32 $0x1B8B  }
0xa2: {  	_ =	swait.ge [sflag:s23], $0x1  }
0xa3: {  	[sflag:s23] =	ssyncset.done $0x0  }
0xa4: {  	s25 =	simm.s32 $0x1B8E;
	s24 =	sld [smem:$0x3FFE];
	[sflag:s23] =	ssyncadd.s32 $0xFFFFFFFF  }
0xa5: {  	s26 =	simm.s32 $execute0_lowered;
	[smem:$0x3FD2] =	sst s25  }
0xa6: {  	s5 =	sshll.u32 s26, $0x1;
	_ =	strace $0x80000046;
	[dreg:$0x1] =	wrdreg $0xFFFFFFFF  }
0xa7: {  	s28 =	simm.s32 $_size_execute0_lowered;
	s3 =	sadd.s32 s3, s5;
	[dreg:$0x0] =	wrdreg $0x0  }
0xa8: {  	s5 =	sshll.u32 s28, $0x1;
	[dreg:$0x2] =	wrdreg s3  }
0xa9: {  	[dreg:$0x3] =	wrdreg s5  }
0xaa: {  	[dreg:$0x4] =	wrdreg $0xC0  }
0xab: {  	_ =	task [dreg:s7], $0x5FFFF  }
0xac: {  	[dreg:$0x1] =	wrdreg $0xFFFFFFFF  }
0xad: {  	[dreg:$0x0] =	wrdreg $0x60  }
0xae: {  	[dreg:$0x2] =	wrdreg s2  }
0xaf: {  	[dreg:$0x3] =	wrdreg s24  }
0xb0: {  	[dreg:$0x4] =	wrdreg $0x2B000  }
0xb1: {  	[dreg:$0x5] =	wrdreg $0x9  }
0xb2: {  	_ =	task.clear_ibuf [dreg:s7], $0x6FFFF;
	_ =	strace $0x90000046  }
0xb3: {  	s29 =	simm.s32 $0x9;
	_ =	strace $0x80000048  }
0xb4: {  	_ =	swait.ge [sflag:s29], $0x1  }
0xb5: {  	[sflag:s29] =	ssyncadd.s32 $0xFFFFFFFF  }
0xb6: {  	_ =	strace $0x90000048  }
0xb7: {  	_ =	sfence  }
0xb8: {  	s30 =	sld [smem:$0x0];
	_ =	sdelay $0x2  }
0xb9: {  	s31 =	sshll.u32 s1, $0xD;
	s1 =	sshrl.u32 s1, $0x2  }
0xba: {  	s3 =	sand.u32 $0x4000, s31;
	s1 =	sadd.s32 s1, s30  }
0xbb: {  	s0 =	sor.u32 s3, s0;
	s1 =	sshll.u32 s1, $0x11  }
0xbc: {  	s0 =	sor.u32 s1, s0  }
0xbd: {  	s0 =	sadd.s32 $0x8F2B, s0  }
0xbe: {  	[sflag:s0] =	ssyncadd.remote.s32 $0x1  }
0xbf: {  	_ =	sfence.sel $0xFFFF  }
0xc0: {  	[dreg:$0x0] =	wrdreg $0xFFFFFFFF;
	(pc) =	sbr.abs _section_cstart, $3  }
0xc1: {  	[dreg:$0x1] =	wrdreg $0xFFFFFFFF  }
0xc2: {  	_ =	task.clear_ibuf [dreg:s7], $0x2FFFF;
	_ =	strace $0x9FFFFFFF  }
0xc3: {  	(tm) =	ssettm $0x7FFFFFFF  }
tec
execute0_lowered:
.L_overlay_start_1:
0x0: {  	(tag) =	ssettag $0x1  }
0x1: {  	s5 =	rddreg [dreg:$0x0]  }
0x2: {  	s4 =	rddreg [dreg:$0x1]  }
0x3: {  	s2 =	rddreg [dreg:$0x2]  }
0x4: {  	s0 =	rddreg [dreg:$0x3]  }
0x5: {  	s3 =	simm.s32 $0x0;
	s6 =	srdreg.scid;
	s1 =	stileid.u32  }
0x6: {  	s11 =	simm.s32 $0x2800;
	s14 =	simm.s32 $0x20;
	s15 =	simm.s32 $0x10  }
0x7: {  	s16 =	simm.s32 $0x0;
	[smem:$0x7FF] =	sst s3;
	s7 =	smul.u32 $0x500, s1  }
0x8: {  	s6 =	sand.u32 $0x1, s6;
	s9 =	sshll.u32 s1, $0x1;
	s30 =	smul.u32 $0xA00, s1  }
0x9: {  	s12 =	sshll.u32 s1, $0x6;
	_ =	strace $0x80000047;
	s8 =	sshll.u32 s6, $0x7  }
0xa: {  	s29 =	sor.u32 s6, s9;
	s6 =	ssub.s32 $0x2, s6;
	s12 =	sor.u32 $0x1C01, s12  }
0xb: {  	s7 =	sor.u32 s8, s7;
	s8 =	smul.u32 $0x500, s29;
	s31 =	sshrl.u32 s6, $0x1  }
0xc: {  	s9 =	sshrl.u32 s30, $0x2;
	s7 =	sshrl.u32 s7, $0x3;
	s10 =	ssub.s32 s6, s31  }
0xd: {  	s7 =	sadd.s32 s7, s4;
	s4 =	sadd.s32 s9, s2;
	s5 =	sadd.s32 s5, s8  }
0xe: {  	s8 =	simm.s32 $0x2880;
	s9 =	simm.s32 $0x1;
	s6 =	sadd.s32 $0xC600, s7  }
0xf: {  	v0 =	vimm.f32 $1.000000000e+00;
	v1 =	vimm.f32 $0.0e+00;
	s7 =	smax.u32 s10, $0x1;
	s10 =	simm.s32 $0x80;
	s13 =	sshrl.u32 s4, $0x3  }
.LBB2_1:
0x10: {  	[tilespmem:$0x2800] =	vst v0  }
0x11: {  	[tilespmem:$0x2810] =	vst v0  }
0x12: {  	[tilespmem:$0x2820] =	vst v0  }
0x13: {  	[tilespmem:$0x2830] =	vst v0  }
0x14: {  	[tilespmem:$0x2840] =	vst v0  }
0x15: {  	[tilespmem:$0x2850] =	vst v0  }
0x16: {  	[tilespmem:$0x2860] =	vst v0  }
0x17: {  	[tilespmem:$0x2870] =	vst v0  }
0x18: {  	[tilespmem:$0x2880] =	vst v1  }
0x19: {  	[tilespmem:$0x2890] =	vst v1  }
0x1a: {  	[tilespmem:$0x28A0] =	vst v1  }
0x1b: {  	[tilespmem:$0x28B0] =	vst v1  }
0x1c: {  	[tilespmem:$0x28C0] =	vst v1  }
0x1d: {  	[tilespmem:$0x28D0] =	vst v1  }
0x1e: {  	[tilespmem:$0x28E0] =	vst v1  }
0x1f: {  	[tilespmem:$0x28F0] =	vst v1  }
0x20: {  	[tilespmem:$0x2900] =	vst v1  }
0x21: {  	[tilespmem:$0x2910] =	vst v1  }
0x22: {  	[tilespmem:$0x2920] =	vst v1  }
0x23: {  	[tilespmem:$0x2930] =	vst v1  }
0x24: {  	[tilespmem:$0x2940] =	vst v1  }
0x25: {  	[tilespmem:$0x2950] =	vst v1  }
0x26: {  	[tilespmem:$0x2960] =	vst v1  }
0x27: {  	[tilespmem:$0x2970] =	vst v1  }
0x28: {  	[tilespmem:$0x2980] =	vst v1  }
0x29: {  	[tilespmem:$0x2990] =	vst v1  }
0x2a: {  	[tilespmem:$0x29A0] =	vst v1  }
0x2b: {  	[tilespmem:$0x29B0] =	vst v1  }
0x2c: {  	[tilespmem:$0x29C0] =	vst v1  }
0x2d: {  	[tilespmem:$0x29D0] =	vst v1  }
0x2e: {  	[tilespmem:$0x29E0] =	vst v1  }
0x2f: {  	[tilespmem:$0x29F0] =	vst v1  }
0x30: {  	[tilespmem:$0x2A00] =	vst v1  }
0x31: {  	[tilespmem:$0x2A10] =	vst v1  }
0x32: {  	[tilespmem:$0x2A20] =	vst v1  }
0x33: {  	[tilespmem:$0x2A30] =	vst v1  }
0x34: {  	[tilespmem:$0x2A40] =	vst v1  }
0x35: {  	[tilespmem:$0x2A50] =	vst v1  }
0x36: {  	[tilespmem:$0x2A60] =	vst v1  }
0x37: {  	[tilespmem:$0x2A70] =	vst v1  }
0x38: {  	[tilespmem:$0x2A80] =	vst v1  }
0x39: {  	[tilespmem:$0x2A90] =	vst v1  }
0x3a: {  	[tilespmem:$0x2AA0] =	vst v1  }
0x3b: {  	[tilespmem:$0x2AB0] =	vst v1  }
0x3c: {  	[tilespmem:$0x2AC0] =	vst v1  }
0x3d: {  	[tilespmem:$0x2AD0] =	vst v1  }
0x3e: {  	[tilespmem:$0x2AE0] =	vst v1  }
0x3f: {  	[tilespmem:$0x2AF0] =	vst v1  }
0x40: {  	[spmem:s4] =	stream.linear.scatter [tilespmem:s8], [sflag:$0x1], $0x280, $0x38;
	[tilespmem:$0x2D80] =	vst v63  }
0x41: {  	_ =	swait.ge [sflag:s9], $0x280  }
0x42: {  	[sflag:s9] =	ssyncset.done $0x0  }
0x43: {  	[sflag:s9] =	ssyncadd.s32 $0xFFFFFD80  }
0x44: {  	[tilespmem:s3], [sflag:$0x1] =	stream.linear.gather [hbm4b:s5+s3], $0x2800, $0x38;
	[tilespmem:$0x2D80] =	vst v63  }
0x45: {  	_ =	swait.ge [sflag:s9], $0x2800  }
0x46: {  	[sflag:s9] =	ssyncset.done $0x0  }
0x47: {  	[sflag:s9] =	ssyncadd.s32 $0xFFFFD800  }
0x48: {  	s17 =	simm.s32 $0x0;
	[bflag:$0x0] =	sbarrier.arrive $0xFFFF  }
0x49: {  	[spmem:s2] =	stream.indirect.scatter.add.f32 [tilespmem:s11], [sflag:$0x1], $0x1, s17, s10, $0xb8;
	[tilespmem:$0x2D80] =	vst v63  }
0x4a: {  	_ =	swait.ge [sflag:s9], $0x80  }
0x4b: {  	s17 =	simm.s32 $0x200;
	[sflag:s9] =	ssyncset.done $0x0  }
.LBB2_2:
0x4c: {  	s18 =	sshra.s32 s17, $0x2;
	[sflag:s9] =	ssyncadd.s32 $0xFFFFFF80;
	p0 =	sne.s32 s17, $0x9E00  }
0x4d: {  	[spmem:s2] =	stream.indirect.scatter.add.f32 [tilespmem:s11], [sflag:$0x1], $0x1, s18, s10, $0xb8;
	[tilespmem:$0x2D80] =	vst v63  }
.Ltmp0:
0x4e: {  	_ = 	snop;
	(pc) =	sbr.rel @p0 .LBB2_2-.Ltmp0, $4  }
0x4f: {  	_ = 	snop  }
0x50: {  	s17 =	sadd.s32 $0x200, s17  }
0x51: {  	_ =	swait.ge [sflag:s9], $0x80  }
0x52: {  	[sflag:s9] =	ssyncset.done $0x0  }
0x53: {  	s16 =	sadd.s32 $0x1, s16  }
0x54: {  	[sflag:s9] =	ssyncadd.s32 $0xFFFFFF80;
	p0 =	sne.s32 s16, s7  }
.Ltmp1:
0x55: {  	[bflag:$0x0] =	sbarrier.arrive $0xFFFF;
	(pc) =	sbr.rel @p0 .LBB2_1-.Ltmp1, $4  }
0x56: {  	[hbm:s6@s14], [sflag:s12] =	dma.strided [spmem:s13@s15], $0x50, s9, $0x10   }
0x57: {  	_ =	swait.ge [sflag:s9], $0x50  }
0x58: {  	[sflag:s9] =	ssyncset.done $0x0  }
0x59: {  	[sflag:s9] =	ssyncadd.s32 $0xFFFFFFB0  }
0x5a: {  	_ =	sfence.sel $0x180000  }
0x5b: {  	[bflag:$0x0] =	sbarrier.arrive $0xFFFF  }
0x5c: {  	p0 =	sne.s32 s1, $0x0;
	_ =	strace $0x90000047  }
0x5d: {  	s0 =	sadd.s32 @!p0 $0x100000, s0;
	[bflag:$0x2] =	sbarrier.arrive $0xFFFF  }
0x5e: {  	[sflag:s0] =	ssyncadd.tile.s32 @!p0 $0x1;
	_ =	shalt  }
.Lfunc_end2:
_tile_overlayer_lowered:
.L_overlay_start_2:
0x5f: {  	(tag) =	ssettag $0x2  }
0x60: {  	s0 =	rddreg [dreg:$0x0];
	s2 =	stileid.u32  }
0x61: {  	s1 =	rddreg [dreg:$0x1];
	p0 =	sne.s32 s2, $0x0  }
0x62: {  	s3 =	rddreg [dreg:$0x2];
	[bflag:$0x3] =	sbarrier.arrive $0xFFFF;
	s2 =	simm.s32 @!p0 $0x1C01  }
0x63: {  	[timem:s3], [sflag:s2] =	dma.local @!p0 [hbm:s0], s1  }
0x64: {  	s0 =	simm.s32 @!p0 $0x1  }
0x65: {  	_ =	swait.ge @!p0 [sflag:s0], s1  }
0x66: {  	s1 =	ssub.s32 @!p0 $0x0, s1;
	[sflag:s0] =	ssyncset.done @!p0 $0x0  }
0x67: {  	[sflag:s0] =	ssyncadd.s32 @!p0 s1  }
0x68: {  	[bflag:$0x3] =	sbarrier.arrive $0xFFFF  }
0x69: {  	_ =	shalt  }

</sc_bundles>
